<compile_context>
chip_gen: v7x
topology: tpu7x:2x2x1
jax: 0.10.2.dev20260603
libtpu: 0.0.44.dev20260713+nightly
codegen_flags: <defaults>
</compile_context>

<pallas_src>
import functools

import jax
import jax.numpy as jnp
from jax import lax
from jax.experimental import pallas as pl
from jax.experimental.pallas import tpu as pltpu
from jax.experimental.pallas import tpu_sc as plsc

C = 192
CP = 256
HC = 128
K = 9
KE = K - 1
N = 1024
B = 8
RB = 1024
NB = N // RB
R3B = 1024
N3B = N // R3B
R5B = 1024
N5B = N // R5B
NTOT = B * N
F32 = jnp.float32


def _stats_accum(s_ref, h, is_first):
    s = jnp.sum(h, axis=0, keepdims=True)
    ss = jnp.sum(h * h, axis=0, keepdims=True)
    contrib = jnp.concatenate([s, ss, jnp.zeros((6, C), F32)], axis=0)

    @pl.when(is_first)
    def _():
        s_ref[...] = contrib

    @pl.when(jnp.logical_not(is_first))
    def _():
        s_ref[...] = s_ref[...] + contrib


def _bn_apply(s_ref, h, g_ref, be_ref):
    mean = s_ref[0:1, :] * (1.0 / NTOT)
    var = s_ref[1:2, :] * (1.0 / NTOT) - mean * mean
    inv = 1.0 / jnp.sqrt(var + 1e-5)
    return (h - mean) * inv * g_ref[...] + be_ref[...]


def _k1(x_ref, w_ref, b_ref, h_ref, s_ref):
    b = pl.program_id(0)
    j = pl.program_id(1)
    h = jnp.dot(x_ref[0], w_ref[...],
                preferred_element_type=F32) + b_ref[...]
    h_ref[0] = h
    _stats_accum(s_ref, h, jnp.logical_and(b == 0, j == 0))


def _call1(x2, W_inT, b_in2):
    return pl.pallas_call(
        _k1,
        grid=(B, NB),
        in_specs=[
            pl.BlockSpec((1, RB, C), lambda b, j: (b, j, 0)),
            pl.BlockSpec((C, C), lambda b, j: (0, 0)),
            pl.BlockSpec((1, C), lambda b, j: (0, 0)),
        ],
        out_specs=[
            pl.BlockSpec((1, RB, C), lambda b, j: (b, j, 0)),
            pl.BlockSpec((8, C), lambda b, j: (0, 0)),
        ],
        out_shape=[
            jax.ShapeDtypeStruct((B, N, C), F32),
            jax.ShapeDtypeStruct((8, C), F32),
        ],
    )(x2, W_inT, b_in2)


def _k2(h_ref, s_ref, g_ref, be_ref, wd_ref, wb_ref, b1_ref,
        f_ref, p_ref, q_ref):
    xh = _bn_apply(s_ref, h_ref[0], g_ref, be_ref)
    f = 0.5 * xh * (1.0 + lax.erf(xh * 0.7071067811865476))
    f_ref[0] = f
    zpad = jnp.zeros((C, CP - C), F32)
    wd = jnp.concatenate([wd_ref[...], zpad], axis=1)
    wb = jnp.concatenate([wb_ref[...], zpad], axis=1)
    b1p = jnp.concatenate([b1_ref[...], jnp.zeros((1, CP - C), F32)], axis=1)
    p_ref[0] = jnp.dot(f, wd, preferred_element_type=F32) + b1p
    q = jnp.dot(f, wb, preferred_element_type=F32)
    u = lax.bitcast_convert_type(q, jnp.uint32)
    top = (u + 0x7FFF + ((u >> 16) & 1)) & jnp.uint32(0xFFFF0000)
    lo, hi = top[:, :HC], top[:, HC:]
    q_ref[0] = lax.bitcast_convert_type(hi | (lo >> 16), jnp.int32)


def _call2(H1, S1, g2, be2, W1dT, W1bT, b12):
    return pl.pallas_call(
        _k2,
        grid=(B, NB),
        in_specs=[
            pl.BlockSpec((1, RB, C), lambda b, j: (b, j, 0)),
            pl.BlockSpec((8, C), lambda b, j: (0, 0)),
            pl.BlockSpec((1, C), lambda b, j: (0, 0)),
            pl.BlockSpec((1, C), lambda b, j: (0, 0)),
            pl.BlockSpec((C, C), lambda b, j: (0, 0)),
            pl.BlockSpec((C, C), lambda b, j: (0, 0)),
            pl.BlockSpec((1, C), lambda b, j: (0, 0)),
        ],
        out_specs=[
            pl.BlockSpec((1, RB, C), lambda b, j: (b, j, 0)),
            pl.BlockSpec((1, RB, CP), lambda b, j: (b, j, 0)),
            pl.BlockSpec((1, RB, HC), lambda b, j: (b, j, 0)),
        ],
        out_shape=[
            jax.ShapeDtypeStruct((B, N, C), F32),
            jax.ShapeDtypeStruct((B, N, CP), F32),
            jax.ShapeDtypeStruct((B, N, HC), jnp.int32),
        ],
    )(H1, S1, g2, be2, W1dT, W1bT, b12)


def _k3(b0, fall_ref, frow_ref, idx_ref):
    b = pl.program_id(0) + b0
    fa = fall_ref[0]
    fr = frow_ref[0]
    S = lax.dot_general(fr, fa, (((1,), (1,)), ((), ())),
                        preferred_element_type=F32)
    sqr = jnp.sum(fr * fr, axis=1, keepdims=True)
    sqa = jnp.sum(fa * fa, axis=1).reshape(1, N)
    d = jnp.maximum(sqr + sqa - 2.0 * S, 0.0)
    iota = lax.broadcasted_iota(jnp.int32, (R3B, N), 1)
    rowg = (lax.broadcasted_iota(jnp.int32, (R3B, N), 0)
            + pl.program_id(1) * R3B)
    d = jnp.where(iota == rowg, jnp.float32(3e38), d)
    base = b * N
    rows = []
    for _ in range(KE):
        m = jnp.min(d, axis=1, keepdims=True)
        c = d == m
        ik = jnp.min(jnp.where(c, iota, jnp.int32(2**30)), axis=1)
        rows.append(ik + base)
        d = jnp.where(c, jnp.float32(3e38), d)
    idx_ref[0] = jnp.stack(rows, axis=0)


HB = B // 2


def _call3(feats, b0):
    return pl.pallas_call(
        functools.partial(_k3, b0),
        grid=(HB, N3B),
        in_specs=[
            pl.BlockSpec((1, N, C), lambda b, j: (b + b0, 0, 0)),
            pl.BlockSpec((1, R3B, C), lambda b, j: (b + b0, j, 0)),
        ],
        out_specs=[pl.BlockSpec((1, KE, R3B), lambda b, j: (b, 0, j))],
        out_shape=[jax.ShapeDtypeStruct((HB, KE, N), jnp.int32)],
    )(feats, feats)[0]


NROWS = (B // 2) * KE * N
NW = 32
RPW = NROWS // NW
CH = 256
NCH = RPW // CH


def _sc_gather_body(q_hbm, idx_hbm, out_hbm, idx_v, rv0, rv1, s0, s1):
    wid = lax.axis_index("s") * 2 + lax.axis_index("c")
    base = wid * RPW
    pltpu.sync_copy(idx_hbm.at[wid // KE, wid % KE], idx_v)
    bufs, sems = (rv0, rv1), (s0, s1)
    pend = [pltpu.async_copy(q_hbm.at[idx_v.at[pl.ds(0, CH)]], rv0, s0)]
    for ch in range(NCH):
        if ch + 1 < NCH:
            pend.append(pltpu.async_copy(
                q_hbm.at[idx_v.at[pl.ds((ch + 1) * CH, CH)]],
                bufs[(ch + 1) % 2], sems[(ch + 1) % 2]))
        pend[ch].wait()
        pltpu.sync_copy(bufs[ch % 2], out_hbm.at[pl.ds(base + ch * CH, CH)])


@functools.lru_cache(maxsize=1)
def _sc_gather_fn():
    return pl.kernel(
        _sc_gather_body,
        out_type=jax.ShapeDtypeStruct((NROWS, HC), jnp.int32),
        mesh=plsc.VectorSubcoreMesh(core_axis_name="c", subcore_axis_name="s"),
        scratch_types=[
            pltpu.VMEM((RPW,), jnp.int32),
            pltpu.VMEM((CH, HC), jnp.int32),
            pltpu.VMEM((CH, HC), jnp.int32),
            pltpu.SemaphoreType.DMA,
            pltpu.SemaphoreType.DMA,
        ],
    )


def _sc_gather(q, idx):
    return _sc_gather_fn()(q, idx)


def _unpack(gp):
    u = lax.bitcast_convert_type(gp, jnp.uint32)
    lo = lax.bitcast_convert_type(u << 16, F32)
    hi = lax.bitcast_convert_type(u & jnp.uint32(0xFFFF0000), F32)
    return jnp.concatenate([lo, hi], axis=1)


def _k5(g_ref, q_ref, p_ref, w2_ref, wo_ref, bo_ref, o_ref, s_ref):
    b = pl.program_id(0)
    j = pl.program_id(1)
    p = p_ref[0]
    w2p = jnp.concatenate([w2_ref[...], jnp.zeros((CP - C, C), F32)], axis=0)
    acc = None
    for k in range(K):
        gp = q_ref[0] if k == 0 else g_ref[0, k - 1]
        e = _unpack(gp) + p
        e = jnp.where(e >= 0.0, e, 0.2 * e)
        y = jnp.dot(e, w2p, preferred_element_type=F32)
        acc = y if acc is None else jnp.maximum(acc, y)
    o = jnp.dot(acc, wo_ref[...],
                preferred_element_type=F32) + bo_ref[...]
    o_ref[0] = o
    _stats_accum(s_ref, o, jnp.logical_and(b == 0, j == 0))


def _call5(G, Q, P, W2T, WoutT, bo2, b0):
    return pl.pallas_call(
        _k5,
        grid=(HB, N5B),
        in_specs=[
            pl.BlockSpec((1, KE, R5B, HC), lambda b, j: (b, 0, j, 0)),
            pl.BlockSpec((1, R5B, HC), lambda b, j: (b + b0, j, 0)),
            pl.BlockSpec((1, R5B, CP), lambda b, j: (b + b0, j, 0)),
            pl.BlockSpec((C, C), lambda b, j: (0, 0)),
            pl.BlockSpec((C, C), lambda b, j: (0, 0)),
            pl.BlockSpec((1, C), lambda b, j: (0, 0)),
        ],
        out_specs=[
            pl.BlockSpec((1, R5B, C), lambda b, j: (b, j, 0)),
            pl.BlockSpec((8, C), lambda b, j: (0, 0)),
        ],
        out_shape=[
            jax.ShapeDtypeStruct((HB, N, C), F32),
            jax.ShapeDtypeStruct((8, C), F32),
        ],
    )(G, Q, P, W2T, WoutT, bo2)


def _k6(oa_ref, ob_ref, sa_ref, sb_ref, g_ref, be_ref, x_ref, f_ref):
    h = pl.program_id(0)
    o = jnp.where(h < HB, oa_ref[0], ob_ref[0])
    s = sa_ref[...] + sb_ref[...]
    mean = s[0:1, :] * (1.0 / NTOT)
    var = s[1:2, :] * (1.0 / NTOT) - mean * mean
    inv = 1.0 / jnp.sqrt(var + 1e-5)
    o = (o - mean) * inv * g_ref[...] + be_ref[...]
    f_ref[0] = jnp.maximum(o + x_ref[0], 0.0)


def _call6(O1a, O1b, S2a, S2b, g2, be2, x2):
    return pl.pallas_call(
        _k6,
        grid=(B, NB),
        in_specs=[
            pl.BlockSpec((1, RB, C), lambda b, j: (b % HB, j, 0)),
            pl.BlockSpec((1, RB, C), lambda b, j: (b % HB, j, 0)),
            pl.BlockSpec((8, C), lambda b, j: (0, 0)),
            pl.BlockSpec((8, C), lambda b, j: (0, 0)),
            pl.BlockSpec((1, C), lambda b, j: (0, 0)),
            pl.BlockSpec((1, C), lambda b, j: (0, 0)),
            pl.BlockSpec((1, RB, C), lambda b, j: (b, j, 0)),
        ],
        out_specs=[pl.BlockSpec((1, RB, C), lambda b, j: (b, j, 0))],
        out_shape=[jax.ShapeDtypeStruct((B, N, C), F32)],
    )(O1a, O1b, S2a, S2b, g2, be2, x2)[0]


def kernel(x, W_in, b_in, g_in, be_in, W1, b1, W2, b2, W_out, b_out,
           g_out, be_out):
    Bx, Cc, Hh, Ww = x.shape
    x2 = x.reshape(Bx, Cc, Hh * Ww).transpose(0, 2, 1)
    W_inT = W_in.T
    W1dT = (W1[:, :Cc] - W1[:, Cc:]).T
    W1bT = W1[:, Cc:].T
    W2T = W2.T
    WoutT = W_out.T
    row = lambda v: v.reshape(1, Cc)

    H1, S1 = _call1(x2, W_inT, row(b_in))
    feats, P, Q = _call2(H1, S1, row(g_in), row(be_in), W1dT, W1bT, row(b1))
    bo_eff = (b_out + jnp.dot(b2, WoutT)).reshape(1, Cc)
    Qf = Q.reshape(Bx * Hh * Ww, HC)
    idxA = _call3(feats, 0)
    GfA = _sc_gather(Qf, idxA)
    idxB = _call3(feats, HB)
    GfB = _sc_gather(Qf, idxB)
    GA = GfA.reshape(HB, KE, Hh * Ww, HC)
    GB = GfB.reshape(HB, KE, Hh * Ww, HC)
    O1a, S2a = _call5(GA, Q, P, W2T, WoutT, bo_eff, 0)
    O1b, S2b = _call5(GB, Q, P, W2T, WoutT, bo_eff, HB)
    F = _call6(O1a, O1b, S2a, S2b, row(g_out), row(be_out), x2)
    return F.transpose(0, 2, 1).reshape(Bx, Cc, Hh, Ww)

# --- scband reference (transcript-rebuilt; emitter-appended) ---
"""Pipeline reference for scband-dynamic-gnnblock-1365799600613 (READ-ONLY COPY).

The authoritative reference and input builder live on the scoring server;
editing this copy changes nothing except your own understanding.
"""

import jax, jax.numpy as jnp
import numpy as np

C = 192
K = 9


def _bn(x, gamma, beta):
    # BatchNorm2d in training mode: batch statistics over (B, H, W) per channel
    mean = jnp.mean(x, axis=(0, 2, 3), keepdims=True)
    var = jnp.var(x, axis=(0, 2, 3), keepdims=True)
    xh = (x - mean) / jnp.sqrt(var + 1e-5)
    return xh * gamma[None, :, None, None] + beta[None, :, None, None]


def setup_inputs(seed: int = 0) -> dict:
    key = jax.random.key(seed)
    ks = jax.random.split(key, 8)
    x = jax.random.normal(ks[0], (8, C, 32, 32), dtype=jnp.float32)
    s1 = 1.0 / np.sqrt(C)
    s2 = 1.0 / np.sqrt(2 * C)
    W_in = jax.random.normal(ks[1], (C, C), dtype=jnp.float32) * s1
    b_in = jnp.zeros((C,), dtype=jnp.float32)
    g_in = jnp.ones((C,), dtype=jnp.float32)
    be_in = jnp.zeros((C,), dtype=jnp.float32)
    W1 = jax.random.normal(ks[2], (C, 2 * C), dtype=jnp.float32) * s2
    b1 = jnp.zeros((C,), dtype=jnp.float32)
    W2 = jax.random.normal(ks[3], (C, C), dtype=jnp.float32) * s1
    b2 = jnp.zeros((C,), dtype=jnp.float32)
    W_out = jax.random.normal(ks[4], (C, C), dtype=jnp.float32) * s1
    b_out = jnp.zeros((C,), dtype=jnp.float32)
    g_out = jnp.ones((C,), dtype=jnp.float32)
    be_out = jnp.zeros((C,), dtype=jnp.float32)
    return {"x": x, "W_in": W_in, "b_in": b_in, "g_in": g_in, "be_in": be_in,
            "W1": W1, "b1": b1, "W2": W2, "b2": b2,
            "W_out": W_out, "b_out": b_out, "g_out": g_out, "be_out": be_out}


def reference(x, W_in, b_in, g_in, be_in, W1, b1, W2, b2, W_out, b_out, g_out, be_out):
    B, Cc, H, W = x.shape
    residual = x
    # fc_in: 1x1 conv + BN + GELU (torch GELU default = exact erf form)
    h = jnp.einsum('bchw,oc->bohw', x, W_in) + b_in[None, :, None, None]
    h = _bn(h, g_in, be_in)
    h = jax.nn.gelu(h, approximate=False)
    feats = h.reshape(B, Cc, H * W).transpose(0, 2, 1)  # [B, N, C]
    # pairwise L2 distances (torch.cdist p=2)
    sq = jnp.sum(feats * feats, axis=-1)
    d2 = sq[:, :, None] + sq[:, None, :] - 2.0 * jnp.einsum('bnc,bmc->bnm', feats, feats)
    dist = jnp.sqrt(jnp.clip(d2, 0.0, None))
    dist = jax.lax.stop_gradient(dist)  # only indices are consumed downstream
    _, nn_idx = jax.lax.top_k(-dist, K)  # k smallest -> [B, N, K]
    neighbor = jax.vmap(lambda f, idx: f[idx])(feats, nn_idx)  # [B, N, K, C]
    center = jnp.broadcast_to(feats[:, :, None, :], neighbor.shape)
    edge = jnp.concatenate([center, neighbor - center], axis=-1)  # [B, N, K, 2C]
    m = jnp.einsum('bnke,oe->bnko', edge, W1) + b1
    m = jnp.where(m >= 0, m, 0.2 * m)  # LeakyReLU(0.2)
    m = jnp.einsum('bnkc,oc->bnko', m, W2) + b2
    new = jnp.max(m, axis=2)  # max over neighbors -> [B, N, C]
    out = new.transpose(0, 2, 1).reshape(B, Cc, H, W)
    out = jnp.einsum('bchw,oc->bohw', out, W_out) + b_out[None, :, None, None]
    out = _bn(out, g_out, be_out)
    return jax.nn.relu(out + residual)

if __name__ == "__main__":
    import jax
    _d = setup_inputs()
    print(jax.jit(kernel)(*tuple(_d.values())))

</pallas_src>

<mosaic_0001>
#map = affine_map<(d0, d1) -> (0, 0)>
#map1 = affine_map<(d0, d1) -> (0, 0, 0)>
module attributes {stable_mosaic.version = 14 : i64} {
  func.func @_sc_gather_body(%arg0: i32, %arg1: i32, %arg2: memref<8192x128xi32, #tpu.memory_space<hbm>>, %arg3: memref<4x8x1024xi32, #tpu.memory_space<hbm>>, %arg4: memref<32768x128xi32, #tpu.memory_space<hbm>>, %arg5: memref<1024xi32, #tpu.memory_space<vmem>>, %arg6: memref<256x128xi32, #tpu.memory_space<vmem>>, %arg7: memref<256x128xi32, #tpu.memory_space<vmem>>, %arg8: memref<!tpu.dma_semaphore, #tpu.memory_space<semaphore_mem>>, %arg9: memref<!tpu.dma_semaphore, #tpu.memory_space<semaphore_mem>>) attributes {dimension_semantics = [#tpu.dimension_semantics<core_parallel>, #tpu.dimension_semantics<subcore_parallel>], iteration_bounds = array<i64: 2, 16>, scalar_prefetch = 0 : i64, scratch_operands = 5 : i64, tpu.core_type = #tpu.core_type<sc_vector_subcore>, window_params = [{transform_indices = #map}, {transform_indices = #map1}, {transform_indices = #map}]} {
    %mul3A = arith.constant 2 : i32
    %mul3A_0 = arith.muli %arg1, %mul3A : i32
    %add3A = arith.addi %mul3A_0, %arg0 : i32
    %mul3A_1 = arith.constant 1024 : i32
    %mul3A_2 = arith.muli %add3A, %mul3A_1 : i32
    %jit3A = arith.constant 8 : i32
    %div3A = arith.divsi %add3A, %jit3A : i32
    %sign3A = arith.constant 0 : i32
    %sign3A_3 = arith.cmpi sgt, %add3A, %sign3A : i32
    %sign3A_4 = arith.extui %sign3A_3 : i1 to i32
    %sign3A_5 = arith.constant 0 : i32
    %sign3A_6 = arith.cmpi slt, %add3A, %sign3A_5 : i32
    %sign3A_7 = arith.extui %sign3A_6 : i1 to i32
    %sign3A_8 = arith.subi %sign3A_4, %sign3A_7 : i32
    %sign3A_9 = arith.constant 0 : i32
    %sign3A_10 = arith.cmpi sgt, %jit3A, %sign3A_9 : i32
    %sign3A_11 = arith.extui %sign3A_10 : i1 to i32
    %sign3A_12 = arith.constant 0 : i32
    %sign3A_13 = arith.cmpi slt, %jit3A, %sign3A_12 : i32
    %sign3A_14 = arith.extui %sign3A_13 : i1 to i32
    %sign3A_15 = arith.subi %sign3A_11, %sign3A_14 : i32
    %ne3A = arith.cmpi ne, %sign3A_8, %sign3A_15 : i32
    %rem3A = arith.remsi %add3A, %jit3A : i32
    %ne3A_16 = arith.constant 0 : i32
    %ne3A_17 = arith.cmpi ne, %rem3A, %ne3A_16 : i32
    %and3A = arith.andi %ne3A, %ne3A_17 : i1
    %sub3A = arith.constant 1 : i32
    %sub3A_18 = arith.subi %div3A, %sub3A : i32
    %select_n3A = arith.select %and3A, %sub3A_18, %div3A : i32
    %jit3A_19 = arith.constant 8 : i32
    %eq3A = arith.constant 0 : i32
    %eq3A_20 = arith.cmpi eq, %jit3A_19, %eq3A : i32
    %jit3A_21 = arith.constant 1 : i32
    %select_n3A_22 = arith.select %eq3A_20, %jit3A_21, %jit3A_19 : i32
    %rem3A_23 = arith.remsi %add3A, %select_n3A_22 : i32
    %ne3A_24 = arith.constant 0 : i32
    %ne3A_25 = arith.cmpi ne, %rem3A_23, %ne3A_24 : i32
    %lt3A = arith.constant 0 : i32
    %lt3A_26 = arith.cmpi slt, %rem3A_23, %lt3A : i32
    %lt3A_27 = arith.constant 0 : i32
    %lt3A_28 = arith.cmpi slt, %select_n3A_22, %lt3A_27 : i32
    %ne3A_29 = arith.xori %lt3A_26, %lt3A_28 : i1
    %and3A_30 = arith.andi %ne3A_29, %ne3A_25 : i1
    %add3A_31 = arith.addi %rem3A_23, %select_n3A_22 : i32
    %select_n3A_32 = arith.select %and3A_30, %add3A_31, %rem3A_23 : i32
    "tpu.region"() ({
      %run_scoped3A = tpu.sem_alloc : memref<!tpu.dma_semaphore, #tpu.memory_space<semaphore_mem>>
      %dma_start3A_79 = arith.constant 0 : i32
      %dma_start3A_80 = tpu.memref_slice %arg3[%select_n3A, %select_n3A_32, %dma_start3A_79] : memref<4x8x1024xi32, #tpu.memory_space<hbm>> -> memref<1x1x1024xi32, #tpu.memory_space<hbm>>
      %dma_start3A_81 = tpu.memref_squeeze %dma_start3A_80 : memref<1x1x1024xi32, #tpu.memory_space<hbm>> -> memref<1024xi32, #tpu.memory_space<hbm>>
      %dma_start3A_82 = arith.constant 0 : i32
      %dma_start3A_83 = tpu.memref_slice %arg3[%select_n3A, %select_n3A_32, %dma_start3A_82] : memref<4x8x1024xi32, #tpu.memory_space<hbm>> -> memref<1x1x1024xi32, #tpu.memory_space<hbm>>
      %dma_start3A_84 = tpu.memref_squeeze %dma_start3A_83 : memref<1x1x1024xi32, #tpu.memory_space<hbm>> -> memref<1024xi32, #tpu.memory_space<hbm>>
      tpu.enqueue_dma source(%dma_start3A_84 : memref<1024xi32, #tpu.memory_space<hbm>>) target(%arg5 : memref<1024xi32, #tpu.memory_space<vmem>>) target_semaphore(%run_scoped3A : memref<!tpu.dma_semaphore, #tpu.memory_space<semaphore_mem>>)
      %dma_wait3A_85 = arith.constant 0 : i32
      %dma_wait3A_86 = tpu.memref_slice %arg3[%select_n3A, %select_n3A_32, %dma_wait3A_85] : memref<4x8x1024xi32, #tpu.memory_space<hbm>> -> memref<1x1x1024xi32, #tpu.memory_space<hbm>>
      %dma_wait3A_87 = tpu.memref_squeeze %dma_wait3A_86 : memref<1x1x1024xi32, #tpu.memory_space<hbm>> -> memref<1024xi32, #tpu.memory_space<hbm>>
      %dma_wait3A_88 = arith.constant 0 : i32
      %dma_wait3A_89 = tpu.memref_slice %arg3[%select_n3A, %select_n3A_32, %dma_wait3A_88] : memref<4x8x1024xi32, #tpu.memory_space<hbm>> -> memref<1x1x1024xi32, #tpu.memory_space<hbm>>
      %dma_wait3A_90 = tpu.memref_squeeze %dma_wait3A_89 : memref<1x1x1024xi32, #tpu.memory_space<hbm>> -> memref<1024xi32, #tpu.memory_space<hbm>>
      tpu.wait_dma2 semaphore(%run_scoped3A : memref<!tpu.dma_semaphore, #tpu.memory_space<semaphore_mem>>) src(%dma_wait3A_90 : memref<1024xi32, #tpu.memory_space<hbm>>) dst(%arg5 : memref<1024xi32, #tpu.memory_space<vmem>>)
      tpu.yield
    }) : () -> ()
    %dma_start3A = arith.constant 0 : i32
    %dma_start3A_33 = tpu.memref_slice %arg5[%dma_start3A] : memref<1024xi32, #tpu.memory_space<vmem>> -> memref<256xi32, #tpu.memory_space<vmem>>
    %dma_start3A_34 = arith.constant 0 : i32
    %dma_start3A_35 = arith.constant 0 : i32
    %dma_start3A_36 = tpu.memref_slice %arg2[%dma_start3A_34, %dma_start3A_35] : memref<8192x128xi32, #tpu.memory_space<hbm>> -> memref<8192x128xi32, #tpu.memory_space<hbm>>
    tpu.enqueue_indirect_dma source(%dma_start3A_36 : memref<8192x128xi32, #tpu.memory_space<hbm>>) target(%arg6 : memref<256x128xi32, #tpu.memory_space<vmem>>) offsets(%dma_start3A_33 : memref<256xi32, #tpu.memory_space<vmem>>) semaphore(%arg8 : memref<!tpu.dma_semaphore, #tpu.memory_space<semaphore_mem>>)
    %dma_start3A_37 = arith.constant 256 : i32
    %dma_start3A_38 = tpu.memref_slice %arg5[%dma_start3A_37] : memref<1024xi32, #tpu.memory_space<vmem>> -> memref<256xi32, #tpu.memory_space<vmem>>
    %dma_start3A_39 = arith.constant 0 : i32
    %dma_start3A_40 = arith.constant 0 : i32
    %dma_start3A_41 = tpu.memref_slice %arg2[%dma_start3A_39, %dma_start3A_40] : memref<8192x128xi32, #tpu.memory_space<hbm>> -> memref<8192x128xi32, #tpu.memory_space<hbm>>
    tpu.enqueue_indirect_dma source(%dma_start3A_41 : memref<8192x128xi32, #tpu.memory_space<hbm>>) target(%arg7 : memref<256x128xi32, #tpu.memory_space<vmem>>) offsets(%dma_start3A_38 : memref<256xi32, #tpu.memory_space<vmem>>) semaphore(%arg9 : memref<!tpu.dma_semaphore, #tpu.memory_space<semaphore_mem>>)
    %dma_wait3A = arith.constant 0 : i32
    %dma_wait3A_42 = tpu.memref_slice %arg5[%dma_wait3A] : memref<1024xi32, #tpu.memory_space<vmem>> -> memref<256xi32, #tpu.memory_space<vmem>>
    %dma_wait3A_43 = arith.constant 0 : i32
    %dma_wait3A_44 = arith.constant 0 : i32
    %dma_wait3A_45 = tpu.memref_slice %arg2[%dma_wait3A_43, %dma_wait3A_44] : memref<8192x128xi32, #tpu.memory_space<hbm>> -> memref<8192x128xi32, #tpu.memory_space<hbm>>
    tpu.wait_indirect_dma semaphore(%arg8 : memref<!tpu.dma_semaphore, #tpu.memory_space<semaphore_mem>>) src(%dma_wait3A_45 : memref<8192x128xi32, #tpu.memory_space<hbm>>) dst(%arg6 : memref<256x128xi32, #tpu.memory_space<vmem>>)
    %add3A_46 = arith.constant 0 : i32
    %add3A_47 = arith.addi %mul3A_2, %add3A_46 : i32
    "tpu.region"() ({
      %run_scoped3A = tpu.sem_alloc : memref<!tpu.dma_semaphore, #tpu.memory_space<semaphore_mem>>
      %dma_start3A_79 = arith.constant 0 : i32
      %dma_start3A_80 = tpu.memref_slice %arg4[%add3A_47, %dma_start3A_79] : memref<32768x128xi32, #tpu.memory_space<hbm>> -> memref<256x128xi32, #tpu.memory_space<hbm>>
      %dma_start3A_81 = arith.constant 0 : i32
      %dma_start3A_82 = tpu.memref_slice %arg4[%add3A_47, %dma_start3A_81] : memref<32768x128xi32, #tpu.memory_space<hbm>> -> memref<256x128xi32, #tpu.memory_space<hbm>>
      tpu.enqueue_dma source(%arg6 : memref<256x128xi32, #tpu.memory_space<vmem>>) target(%dma_start3A_82 : memref<256x128xi32, #tpu.memory_space<hbm>>) target_semaphore(%run_scoped3A : memref<!tpu.dma_semaphore, #tpu.memory_space<semaphore_mem>>)
      %dma_wait3A_83 = arith.constant 0 : i32
      %dma_wait3A_84 = tpu.memref_slice %arg4[%add3A_47, %dma_wait3A_83] : memref<32768x128xi32, #tpu.memory_space<hbm>> -> memref<256x128xi32, #tpu.memory_space<hbm>>
      %dma_wait3A_85 = arith.constant 0 : i32
      %dma_wait3A_86 = tpu.memref_slice %arg4[%add3A_47, %dma_wait3A_85] : memref<32768x128xi32, #tpu.memory_space<hbm>> -> memref<256x128xi32, #tpu.memory_space<hbm>>
      tpu.wait_dma2 semaphore(%run_scoped3A : memref<!tpu.dma_semaphore, #tpu.memory_space<semaphore_mem>>) src(%arg6 : memref<256x128xi32, #tpu.memory_space<vmem>>) dst(%dma_wait3A_86 : memref<256x128xi32, #tpu.memory_space<hbm>>)
      tpu.yield
    }) : () -> ()
    %dma_start3A_48 = arith.constant 512 : i32
    %dma_start3A_49 = tpu.memref_slice %arg5[%dma_start3A_48] : memref<1024xi32, #tpu.memory_space<vmem>> -> memref<256xi32, #tpu.memory_space<vmem>>
    %dma_start3A_50 = arith.constant 0 : i32
    %dma_start3A_51 = arith.constant 0 : i32
    %dma_start3A_52 = tpu.memref_slice %arg2[%dma_start3A_50, %dma_start3A_51] : memref<8192x128xi32, #tpu.memory_space<hbm>> -> memref<8192x128xi32, #tpu.memory_space<hbm>>
    tpu.enqueue_indirect_dma source(%dma_start3A_52 : memref<8192x128xi32, #tpu.memory_space<hbm>>) target(%arg6 : memref<256x128xi32, #tpu.memory_space<vmem>>) offsets(%dma_start3A_49 : memref<256xi32, #tpu.memory_space<vmem>>) semaphore(%arg8 : memref<!tpu.dma_semaphore, #tpu.memory_space<semaphore_mem>>)
    %dma_wait3A_53 = arith.constant 256 : i32
    %dma_wait3A_54 = tpu.memref_slice %arg5[%dma_wait3A_53] : memref<1024xi32, #tpu.memory_space<vmem>> -> memref<256xi32, #tpu.memory_space<vmem>>
    %dma_wait3A_55 = arith.constant 0 : i32
    %dma_wait3A_56 = arith.constant 0 : i32
    %dma_wait3A_57 = tpu.memref_slice %arg2[%dma_wait3A_55, %dma_wait3A_56] : memref<8192x128xi32, #tpu.memory_space<hbm>> -> memref<8192x128xi32, #tpu.memory_space<hbm>>
    tpu.wait_indirect_dma semaphore(%arg9 : memref<!tpu.dma_semaphore, #tpu.memory_space<semaphore_mem>>) src(%dma_wait3A_57 : memref<8192x128xi32, #tpu.memory_space<hbm>>) dst(%arg7 : memref<256x128xi32, #tpu.memory_space<vmem>>)
    %add3A_58 = arith.constant 256 : i32
    %add3A_59 = arith.addi %mul3A_2, %add3A_58 : i32
    "tpu.region"() ({
      %run_scoped3A = tpu.sem_alloc : memref<!tpu.dma_semaphore, #tpu.memory_space<semaphore_mem>>
      %dma_start3A_79 = arith.constant 0 : i32
      %dma_start3A_80 = tpu.memref_slice %arg4[%add3A_59, %dma_start3A_79] : memref<32768x128xi32, #tpu.memory_space<hbm>> -> memref<256x128xi32, #tpu.memory_space<hbm>>
      %dma_start3A_81 = arith.constant 0 : i32
      %dma_start3A_82 = tpu.memref_slice %arg4[%add3A_59, %dma_start3A_81] : memref<32768x128xi32, #tpu.memory_space<hbm>> -> memref<256x128xi32, #tpu.memory_space<hbm>>
      tpu.enqueue_dma source(%arg7 : memref<256x128xi32, #tpu.memory_space<vmem>>) target(%dma_start3A_82 : memref<256x128xi32, #tpu.memory_space<hbm>>) target_semaphore(%run_scoped3A : memref<!tpu.dma_semaphore, #tpu.memory_space<semaphore_mem>>)
      %dma_wait3A_83 = arith.constant 0 : i32
      %dma_wait3A_84 = tpu.memref_slice %arg4[%add3A_59, %dma_wait3A_83] : memref<32768x128xi32, #tpu.memory_space<hbm>> -> memref<256x128xi32, #tpu.memory_space<hbm>>
      %dma_wait3A_85 = arith.constant 0 : i32
      %dma_wait3A_86 = tpu.memref_slice %arg4[%add3A_59, %dma_wait3A_85] : memref<32768x128xi32, #tpu.memory_space<hbm>> -> memref<256x128xi32, #tpu.memory_space<hbm>>
      tpu.wait_dma2 semaphore(%run_scoped3A : memref<!tpu.dma_semaphore, #tpu.memory_space<semaphore_mem>>) src(%arg7 : memref<256x128xi32, #tpu.memory_space<vmem>>) dst(%dma_wait3A_86 : memref<256x128xi32, #tpu.memory_space<hbm>>)
      tpu.yield
    }) : () -> ()
    %dma_start3A_60 = arith.constant 768 : i32
    %dma_start3A_61 = tpu.memref_slice %arg5[%dma_start3A_60] : memref<1024xi32, #tpu.memory_space<vmem>> -> memref<256xi32, #tpu.memory_space<vmem>>
    %dma_start3A_62 = arith.constant 0 : i32
    %dma_start3A_63 = arith.constant 0 : i32
    %dma_start3A_64 = tpu.memref_slice %arg2[%dma_start3A_62, %dma_start3A_63] : memref<8192x128xi32, #tpu.memory_space<hbm>> -> memref<8192x128xi32, #tpu.memory_space<hbm>>
    tpu.enqueue_indirect_dma source(%dma_start3A_64 : memref<8192x128xi32, #tpu.memory_space<hbm>>) target(%arg7 : memref<256x128xi32, #tpu.memory_space<vmem>>) offsets(%dma_start3A_61 : memref<256xi32, #tpu.memory_space<vmem>>) semaphore(%arg9 : memref<!tpu.dma_semaphore, #tpu.memory_space<semaphore_mem>>)
    %dma_wait3A_65 = arith.constant 512 : i32
    %dma_wait3A_66 = tpu.memref_slice %arg5[%dma_wait3A_65] : memref<1024xi32, #tpu.memory_space<vmem>> -> memref<256xi32, #tpu.memory_space<vmem>>
    %dma_wait3A_67 = arith.constant 0 : i32
    %dma_wait3A_68 = arith.constant 0 : i32
    %dma_wait3A_69 = tpu.memref_slice %arg2[%dma_wait3A_67, %dma_wait3A_68] : memref<8192x128xi32, #tpu.memory_space<hbm>> -> memref<8192x128xi32, #tpu.memory_space<hbm>>
    tpu.wait_indirect_dma semaphore(%arg8 : memref<!tpu.dma_semaphore, #tpu.memory_space<semaphore_mem>>) src(%dma_wait3A_69 : memref<8192x128xi32, #tpu.memory_space<hbm>>) dst(%arg6 : memref<256x128xi32, #tpu.memory_space<vmem>>)
    %add3A_70 = arith.constant 512 : i32
    %add3A_71 = arith.addi %mul3A_2, %add3A_70 : i32
    "tpu.region"() ({
      %run_scoped3A = tpu.sem_alloc : memref<!tpu.dma_semaphore, #tpu.memory_space<semaphore_mem>>
      %dma_start3A_79 = arith.constant 0 : i32
      %dma_start3A_80 = tpu.memref_slice %arg4[%add3A_71, %dma_start3A_79] : memref<32768x128xi32, #tpu.memory_space<hbm>> -> memref<256x128xi32, #tpu.memory_space<hbm>>
      %dma_start3A_81 = arith.constant 0 : i32
      %dma_start3A_82 = tpu.memref_slice %arg4[%add3A_71, %dma_start3A_81] : memref<32768x128xi32, #tpu.memory_space<hbm>> -> memref<256x128xi32, #tpu.memory_space<hbm>>
      tpu.enqueue_dma source(%arg6 : memref<256x128xi32, #tpu.memory_space<vmem>>) target(%dma_start3A_82 : memref<256x128xi32, #tpu.memory_space<hbm>>) target_semaphore(%run_scoped3A : memref<!tpu.dma_semaphore, #tpu.memory_space<semaphore_mem>>)
      %dma_wait3A_83 = arith.constant 0 : i32
      %dma_wait3A_84 = tpu.memref_slice %arg4[%add3A_71, %dma_wait3A_83] : memref<32768x128xi32, #tpu.memory_space<hbm>> -> memref<256x128xi32, #tpu.memory_space<hbm>>
      %dma_wait3A_85 = arith.constant 0 : i32
      %dma_wait3A_86 = tpu.memref_slice %arg4[%add3A_71, %dma_wait3A_85] : memref<32768x128xi32, #tpu.memory_space<hbm>> -> memref<256x128xi32, #tpu.memory_space<hbm>>
      tpu.wait_dma2 semaphore(%run_scoped3A : memref<!tpu.dma_semaphore, #tpu.memory_space<semaphore_mem>>) src(%arg6 : memref<256x128xi32, #tpu.memory_space<vmem>>) dst(%dma_wait3A_86 : memref<256x128xi32, #tpu.memory_space<hbm>>)
      tpu.yield
    }) : () -> ()
    %dma_wait3A_72 = arith.constant 768 : i32
    %dma_wait3A_73 = tpu.memref_slice %arg5[%dma_wait3A_72] : memref<1024xi32, #tpu.memory_space<vmem>> -> memref<256xi32, #tpu.memory_space<vmem>>
    %dma_wait3A_74 = arith.constant 0 : i32
    %dma_wait3A_75 = arith.constant 0 : i32
    %dma_wait3A_76 = tpu.memref_slice %arg2[%dma_wait3A_74, %dma_wait3A_75] : memref<8192x128xi32, #tpu.memory_space<hbm>> -> memref<8192x128xi32, #tpu.memory_space<hbm>>
    tpu.wait_indirect_dma semaphore(%arg9 : memref<!tpu.dma_semaphore, #tpu.memory_space<semaphore_mem>>) src(%dma_wait3A_76 : memref<8192x128xi32, #tpu.memory_space<hbm>>) dst(%arg7 : memref<256x128xi32, #tpu.memory_space<vmem>>)
    %add3A_77 = arith.constant 768 : i32
    %add3A_78 = arith.addi %mul3A_2, %add3A_77 : i32
    "tpu.region"() ({
      %run_scoped3A = tpu.sem_alloc : memref<!tpu.dma_semaphore, #tpu.memory_space<semaphore_mem>>
      %dma_start3A_79 = arith.constant 0 : i32
      %dma_start3A_80 = tpu.memref_slice %arg4[%add3A_78, %dma_start3A_79] : memref<32768x128xi32, #tpu.memory_space<hbm>> -> memref<256x128xi32, #tpu.memory_space<hbm>>
      %dma_start3A_81 = arith.constant 0 : i32
      %dma_start3A_82 = tpu.memref_slice %arg4[%add3A_78, %dma_start3A_81] : memref<32768x128xi32, #tpu.memory_space<hbm>> -> memref<256x128xi32, #tpu.memory_space<hbm>>
      tpu.enqueue_dma source(%arg7 : memref<256x128xi32, #tpu.memory_space<vmem>>) target(%dma_start3A_82 : memref<256x128xi32, #tpu.memory_space<hbm>>) target_semaphore(%run_scoped3A : memref<!tpu.dma_semaphore, #tpu.memory_space<semaphore_mem>>)
      %dma_wait3A_83 = arith.constant 0 : i32
      %dma_wait3A_84 = tpu.memref_slice %arg4[%add3A_78, %dma_wait3A_83] : memref<32768x128xi32, #tpu.memory_space<hbm>> -> memref<256x128xi32, #tpu.memory_space<hbm>>
      %dma_wait3A_85 = arith.constant 0 : i32
      %dma_wait3A_86 = tpu.memref_slice %arg4[%add3A_78, %dma_wait3A_85] : memref<32768x128xi32, #tpu.memory_space<hbm>> -> memref<256x128xi32, #tpu.memory_space<hbm>>
      tpu.wait_dma2 semaphore(%run_scoped3A : memref<!tpu.dma_semaphore, #tpu.memory_space<semaphore_mem>>) src(%arg7 : memref<256x128xi32, #tpu.memory_space<vmem>>) dst(%dma_wait3A_86 : memref<256x128xi32, #tpu.memory_space<hbm>>)
      tpu.yield
    }) : () -> ()
    return
  }
}

#map = affine_map<(d0, d1) -> (0, 0)>
#map1 = affine_map<(d0, d1) -> (0, 0, 0)>
module attributes {stable_mosaic.version = 14 : i64} {
  func.func @_sc_gather_body(%arg0: i32, %arg1: i32, %arg2: memref<8192x128xi32, #tpu.memory_space<hbm>>, %arg3: memref<4x8x1024xi32, #tpu.memory_space<hbm>>, %arg4: memref<32768x128xi32, #tpu.memory_space<hbm>>, %arg5: memref<1024xi32, #tpu.memory_space<vmem>>, %arg6: memref<256x128xi32, #tpu.memory_space<vmem>>, %arg7: memref<256x128xi32, #tpu.memory_space<vmem>>, %arg8: memref<!tpu.dma_semaphore, #tpu.memory_space<semaphore_mem>>, %arg9: memref<!tpu.dma_semaphore, #tpu.memory_space<semaphore_mem>>) attributes {dimension_semantics = [#tpu.dimension_semantics<core_parallel>, #tpu.dimension_semantics<subcore_parallel>], iteration_bounds = array<i64: 2, 16>, scalar_prefetch = 0 : i64, scratch_operands = 5 : i64, tpu.core_type = #tpu.core_type<sc_vector_subcore>, window_params = [{transform_indices = #map}, {transform_indices = #map1}, {transform_indices = #map}]} {
    %mul3A = arith.constant 2 : i32
    %mul3A_0 = arith.muli %arg1, %mul3A : i32
    %add3A = arith.addi %mul3A_0, %arg0 : i32
    %mul3A_1 = arith.constant 1024 : i32
    %mul3A_2 = arith.muli %add3A, %mul3A_1 : i32
    %jit3A = arith.constant 8 : i32
    %div3A = arith.divsi %add3A, %jit3A : i32
    %sign3A = arith.constant 0 : i32
    %sign3A_3 = arith.cmpi sgt, %add3A, %sign3A : i32
    %sign3A_4 = arith.extui %sign3A_3 : i1 to i32
    %sign3A_5 = arith.constant 0 : i32
    %sign3A_6 = arith.cmpi slt, %add3A, %sign3A_5 : i32
    %sign3A_7 = arith.extui %sign3A_6 : i1 to i32
    %sign3A_8 = arith.subi %sign3A_4, %sign3A_7 : i32
    %sign3A_9 = arith.constant 0 : i32
    %sign3A_10 = arith.cmpi sgt, %jit3A, %sign3A_9 : i32
    %sign3A_11 = arith.extui %sign3A_10 : i1 to i32
    %sign3A_12 = arith.constant 0 : i32
    %sign3A_13 = arith.cmpi slt, %jit3A, %sign3A_12 : i32
    %sign3A_14 = arith.extui %sign3A_13 : i1 to i32
    %sign3A_15 = arith.subi %sign3A_11, %sign3A_14 : i32
    %ne3A = arith.cmpi ne, %sign3A_8, %sign3A_15 : i32
    %rem3A = arith.remsi %add3A, %jit3A : i32
    %ne3A_16 = arith.constant 0 : i32
    %ne3A_17 = arith.cmpi ne, %rem3A, %ne3A_16 : i32
    %and3A = arith.andi %ne3A, %ne3A_17 : i1
    %sub3A = arith.constant 1 : i32
    %sub3A_18 = arith.subi %div3A, %sub3A : i32
    %select_n3A = arith.select %and3A, %sub3A_18, %div3A : i32
    %jit3A_19 = arith.constant 8 : i32
    %eq3A = arith.constant 0 : i32
    %eq3A_20 = arith.cmpi eq, %jit3A_19, %eq3A : i32
    %jit3A_21 = arith.constant 1 : i32
    %select_n3A_22 = arith.select %eq3A_20, %jit3A_21, %jit3A_19 : i32
    %rem3A_23 = arith.remsi %add3A, %select_n3A_22 : i32
    %ne3A_24 = arith.constant 0 : i32
    %ne3A_25 = arith.cmpi ne, %rem3A_23, %ne3A_24 : i32
    %lt3A = arith.constant 0 : i32
    %lt3A_26 = arith.cmpi slt, %rem3A_23, %lt3A : i32
    %lt3A_27 = arith.constant 0 : i32
    %lt3A_28 = arith.cmpi slt, %select_n3A_22, %lt3A_27 : i32
    %ne3A_29 = arith.xori %lt3A_26, %lt3A_28 : i1
    %and3A_30 = arith.andi %ne3A_29, %ne3A_25 : i1
    %add3A_31 = arith.addi %rem3A_23, %select_n3A_22 : i32
    %select_n3A_32 = arith.select %and3A_30, %add3A_31, %rem3A_23 : i32
    "tpu.region"() ({
      %run_scoped3A = tpu.sem_alloc : memref<!tpu.dma_semaphore, #tpu.memory_space<semaphore_mem>>
      %dma_start3A_79 = arith.constant 0 : i32
      %dma_start3A_80 = tpu.memref_slice %arg3[%select_n3A, %select_n3A_32, %dma_start3A_79] : memref<4x8x1024xi32, #tpu.memory_space<hbm>> -> memref<1x1x1024xi32, #tpu.memory_space<hbm>>
      %dma_start3A_81 = tpu.memref_squeeze %dma_start3A_80 : memref<1x1x1024xi32, #tpu.memory_space<hbm>> -> memref<1024xi32, #tpu.memory_space<hbm>>
      %dma_start3A_82 = arith.constant 0 : i32
      %dma_start3A_83 = tpu.memref_slice %arg3[%select_n3A, %select_n3A_32, %dma_start3A_82] : memref<4x8x1024xi32, #tpu.memory_space<hbm>> -> memref<1x1x1024xi32, #tpu.memory_space<hbm>>
      %dma_start3A_84 = tpu.memref_squeeze %dma_start3A_83 : memref<1x1x1024xi32, #tpu.memory_space<hbm>> -> memref<1024xi32, #tpu.memory_space<hbm>>
      tpu.enqueue_dma source(%dma_start3A_84 : memref<1024xi32, #tpu.memory_space<hbm>>) target(%arg5 : memref<1024xi32, #tpu.memory_space<vmem>>) target_semaphore(%run_scoped3A : memref<!tpu.dma_semaphore, #tpu.memory_space<semaphore_mem>>)
      %dma_wait3A_85 = arith.constant 0 : i32
      %dma_wait3A_86 = tpu.memref_slice %arg3[%select_n3A, %select_n3A_32, %dma_wait3A_85] : memref<4x8x1024xi32, #tpu.memory_space<hbm>> -> memref<1x1x1024xi32, #tpu.memory_space<hbm>>
      %dma_wait3A_87 = tpu.memref_squeeze %dma_wait3A_86 : memref<1x1x1024xi32, #tpu.memory_space<hbm>> -> memref<1024xi32, #tpu.memory_space<hbm>>
      %dma_wait3A_88 = arith.constant 0 : i32
      %dma_wait3A_89 = tpu.memref_slice %arg3[%select_n3A, %select_n3A_32, %dma_wait3A_88] : memref<4x8x1024xi32, #tpu.memory_space<hbm>> -> memref<1x1x1024xi32, #tpu.memory_space<hbm>>
      %dma_wait3A_90 = tpu.memref_squeeze %dma_wait3A_89 : memref<1x1x1024xi32, #tpu.memory_space<hbm>> -> memref<1024xi32, #tpu.memory_space<hbm>>
      tpu.wait_dma2 semaphore(%run_scoped3A : memref<!tpu.dma_semaphore, #tpu.memory_space<semaphore_mem>>) src(%dma_wait3A_90 : memref<1024xi32, #tpu.memory_space<hbm>>) dst(%arg5 : memref<1024xi32, #tpu.memory_space<vmem>>)
      tpu.yield
    }) : () -> ()
    %dma_start3A = arith.constant 0 : i32
    %dma_start3A_33 = tpu.memref_slice %arg5[%dma_start3A] : memref<1024xi32, #tpu.memory_space<vmem>> -> memref<256xi32, #tpu.memory_space<vmem>>
    %dma_start3A_34 = arith.constant 0 : i32
    %dma_start3A_35 = arith.constant 0 : i32
    %dma_start3A_36 = tpu.memref_slice %arg2[%dma_start3A_34, %dma_start3A_35] : memref<8192x128xi32, #tpu.memory_space<hbm>> -> memref<8192x128xi32, #tpu.memory_space<hbm>>
    tpu.enqueue_indirect_dma source(%dma_start3A_36 : memref<8192x128xi32, #tpu.memory_space<hbm>>) target(%arg6 : memref<256x128xi32, #tpu.memory_space<vmem>>) offsets(%dma_start3A_33 : memref<256xi32, #tpu.memory_space<vmem>>) semaphore(%arg8 : memref<!tpu.dma_semaphore, #tpu.memory_space<semaphore_mem>>)
    %dma_start3A_37 = arith.constant 256 : i32
    %dma_start3A_38 = tpu.memref_slice %arg5[%dma_start3A_37] : memref<1024xi32, #tpu.memory_space<vmem>> -> memref<256xi32, #tpu.memory_space<vmem>>
    %dma_start3A_39 = arith.constant 0 : i32
    %dma_start3A_40 = arith.constant 0 : i32
    %dma_start3A_41 = tpu.memref_slice %arg2[%dma_start3A_39, %dma_start3A_40] : memref<8192x128xi32, #tpu.memory_space<hbm>> -> memref<8192x128xi32, #tpu.memory_space<hbm>>
    tpu.enqueue_indirect_dma source(%dma_start3A_41 : memref<8192x128xi32, #tpu.memory_space<hbm>>) target(%arg7 : memref<256x128xi32, #tpu.memory_space<vmem>>) offsets(%dma_start3A_38 : memref<256xi32, #tpu.memory_space<vmem>>) semaphore(%arg9 : memref<!tpu.dma_semaphore, #tpu.memory_space<semaphore_mem>>)
    %dma_wait3A = arith.constant 0 : i32
    %dma_wait3A_42 = tpu.memref_slice %arg5[%dma_wait3A] : memref<1024xi32, #tpu.memory_space<vmem>> -> memref<256xi32, #tpu.memory_space<vmem>>
    %dma_wait3A_43 = arith.constant 0 : i32
    %dma_wait3A_44 = arith.constant 0 : i32
    %dma_wait3A_45 = tpu.memref_slice %arg2[%dma_wait3A_43, %dma_wait3A_44] : memref<8192x128xi32, #tpu.memory_space<hbm>> -> memref<8192x128xi32, #tpu.memory_space<hbm>>
    tpu.wait_indirect_dma semaphore(%arg8 : memref<!tpu.dma_semaphore, #tpu.memory_space<semaphore_mem>>) src(%dma_wait3A_45 : memref<8192x128xi32, #tpu.memory_space<hbm>>) dst(%arg6 : memref<256x128xi32, #tpu.memory_space<vmem>>)
    %add3A_46 = arith.constant 0 : i32
    %add3A_47 = arith.addi %mul3A_2, %add3A_46 : i32
    "tpu.region"() ({
      %run_scoped3A = tpu.sem_alloc : memref<!tpu.dma_semaphore, #tpu.memory_space<semaphore_mem>>
      %dma_start3A_79 = arith.constant 0 : i32
      %dma_start3A_80 = tpu.memref_slice %arg4[%add3A_47, %dma_start3A_79] : memref<32768x128xi32, #tpu.memory_space<hbm>> -> memref<256x128xi32, #tpu.memory_space<hbm>>
      %dma_start3A_81 = arith.constant 0 : i32
      %dma_start3A_82 = tpu.memref_slice %arg4[%add3A_47, %dma_start3A_81] : memref<32768x128xi32, #tpu.memory_space<hbm>> -> memref<256x128xi32, #tpu.memory_space<hbm>>
      tpu.enqueue_dma source(%arg6 : memref<256x128xi32, #tpu.memory_space<vmem>>) target(%dma_start3A_82 : memref<256x128xi32, #tpu.memory_space<hbm>>) target_semaphore(%run_scoped3A : memref<!tpu.dma_semaphore, #tpu.memory_space<semaphore_mem>>)
      %dma_wait3A_83 = arith.constant 0 : i32
      %dma_wait3A_84 = tpu.memref_slice %arg4[%add3A_47, %dma_wait3A_83] : memref<32768x128xi32, #tpu.memory_space<hbm>> -> memref<256x128xi32, #tpu.memory_space<hbm>>
      %dma_wait3A_85 = arith.constant 0 : i32
      %dma_wait3A_86 = tpu.memref_slice %arg4[%add3A_47, %dma_wait3A_85] : memref<32768x128xi32, #tpu.memory_space<hbm>> -> memref<256x128xi32, #tpu.memory_space<hbm>>
      tpu.wait_dma2 semaphore(%run_scoped3A : memref<!tpu.dma_semaphore, #tpu.memory_space<semaphore_mem>>) src(%arg6 : memref<256x128xi32, #tpu.memory_space<vmem>>) dst(%dma_wait3A_86 : memref<256x128xi32, #tpu.memory_space<hbm>>)
      tpu.yield
    }) : () -> ()
    %dma_start3A_48 = arith.constant 512 : i32
    %dma_start3A_49 = tpu.memref_slice %arg5[%dma_start3A_48] : memref<1024xi32, #tpu.memory_space<vmem>> -> memref<256xi32, #tpu.memory_space<vmem>>
    %dma_start3A_50 = arith.constant 0 : i32
    %dma_start3A_51 = arith.constant 0 : i32
    %dma_start3A_52 = tpu.memref_slice %arg2[%dma_start3A_50, %dma_start3A_51] : memref<8192x128xi32, #tpu.memory_space<hbm>> -> memref<8192x128xi32, #tpu.memory_space<hbm>>
    tpu.enqueue_indirect_dma source(%dma_start3A_52 : memref<8192x128xi32, #tpu.memory_space<hbm>>) target(%arg6 : memref<256x128xi32, #tpu.memory_space<vmem>>) offsets(%dma_start3A_49 : memref<256xi32, #tpu.memory_space<vmem>>) semaphore(%arg8 : memref<!tpu.dma_semaphore, #tpu.memory_space<semaphore_mem>>)
    %dma_wait3A_53 = arith.constant 256 : i32
    %dma_wait3A_54 = tpu.memref_slice %arg5[%dma_wait3A_53] : memref<1024xi32, #tpu.memory_space<vmem>> -> memref<256xi32, #tpu.memory_space<vmem>>
    %dma_wait3A_55 = arith.constant 0 : i32
    %dma_wait3A_56 = arith.constant 0 : i32
    %dma_wait3A_57 = tpu.memref_slice %arg2[%dma_wait3A_55, %dma_wait3A_56] : memref<8192x128xi32, #tpu.memory_space<hbm>> -> memref<8192x128xi32, #tpu.memory_space<hbm>>
    tpu.wait_indirect_dma semaphore(%arg9 : memref<!tpu.dma_semaphore, #tpu.memory_space<semaphore_mem>>) src(%dma_wait3A_57 : memref<8192x128xi32, #tpu.memory_space<hbm>>) dst(%arg7 : memref<256x128xi32, #tpu.memory_space<vmem>>)
    %add3A_58 = arith.constant 256 : i32
    %add3A_59 = arith.addi %mul3A_2, %add3A_58 : i32
    "tpu.region"() ({
      %run_scoped3A = tpu.sem_alloc : memref<!tpu.dma_semaphore, #tpu.memory_space<semaphore_mem>>
      %dma_start3A_79 = arith.constant 0 : i32
      %dma_start3A_80 = tpu.memref_slice %arg4[%add3A_59, %dma_start3A_79] : memref<32768x128xi32, #tpu.memory_space<hbm>> -> memref<256x128xi32, #tpu.memory_space<hbm>>
      %dma_start3A_81 = arith.constant 0 : i32
      %dma_start3A_82 = tpu.memref_slice %arg4[%add3A_59, %dma_start3A_81] : memref<32768x128xi32, #tpu.memory_space<hbm>> -> memref<256x128xi32, #tpu.memory_space<hbm>>
      tpu.enqueue_dma source(%arg7 : memref<256x128xi32, #tpu.memory_space<vmem>>) target(%dma_start3A_82 : memref<256x128xi32, #tpu.memory_space<hbm>>) target_semaphore(%run_scoped3A : memref<!tpu.dma_semaphore, #tpu.memory_space<semaphore_mem>>)
      %dma_wait3A_83 = arith.constant 0 : i32
      %dma_wait3A_84 = tpu.memref_slice %arg4[%add3A_59, %dma_wait3A_83] : memref<32768x128xi32, #tpu.memory_space<hbm>> -> memref<256x128xi32, #tpu.memory_space<hbm>>
      %dma_wait3A_85 = arith.constant 0 : i32
      %dma_wait3A_86 = tpu.memref_slice %arg4[%add3A_59, %dma_wait3A_85] : memref<32768x128xi32, #tpu.memory_space<hbm>> -> memref<256x128xi32, #tpu.memory_space<hbm>>
      tpu.wait_dma2 semaphore(%run_scoped3A : memref<!tpu.dma_semaphore, #tpu.memory_space<semaphore_mem>>) src(%arg7 : memref<256x128xi32, #tpu.memory_space<vmem>>) dst(%dma_wait3A_86 : memref<256x128xi32, #tpu.memory_space<hbm>>)
      tpu.yield
    }) : () -> ()
    %dma_start3A_60 = arith.constant 768 : i32
    %dma_start3A_61 = tpu.memref_slice %arg5[%dma_start3A_60] : memref<1024xi32, #tpu.memory_space<vmem>> -> memref<256xi32, #tpu.memory_space<vmem>>
    %dma_start3A_62 = arith.constant 0 : i32
    %dma_start3A_63 = arith.constant 0 : i32
    %dma_start3A_64 = tpu.memref_slice %arg2[%dma_start3A_62, %dma_start3A_63] : memref<8192x128xi32, #tpu.memory_space<hbm>> -> memref<8192x128xi32, #tpu.memory_space<hbm>>
    tpu.enqueue_indirect_dma source(%dma_start3A_64 : memref<8192x128xi32, #tpu.memory_space<hbm>>) target(%arg7 : memref<256x128xi32, #tpu.memory_space<vmem>>) offsets(%dma_start3A_61 : memref<256xi32, #tpu.memory_space<vmem>>) semaphore(%arg9 : memref<!tpu.dma_semaphore, #tpu.memory_space<semaphore_mem>>)
    %dma_wait3A_65 = arith.constant 512 : i32
    %dma_wait3A_66 = tpu.memref_slice %arg5[%dma_wait3A_65] : memref<1024xi32, #tpu.memory_space<vmem>> -> memref<256xi32, #tpu.memory_space<vmem>>
    %dma_wait3A_67 = arith.constant 0 : i32
    %dma_wait3A_68 = arith.constant 0 : i32
    %dma_wait3A_69 = tpu.memref_slice %arg2[%dma_wait3A_67, %dma_wait3A_68] : memref<8192x128xi32, #tpu.memory_space<hbm>> -> memref<8192x128xi32, #tpu.memory_space<hbm>>
    tpu.wait_indirect_dma semaphore(%arg8 : memref<!tpu.dma_semaphore, #tpu.memory_space<semaphore_mem>>) src(%dma_wait3A_69 : memref<8192x128xi32, #tpu.memory_space<hbm>>) dst(%arg6 : memref<256x128xi32, #tpu.memory_space<vmem>>)
    %add3A_70 = arith.constant 512 : i32
    %add3A_71 = arith.addi %mul3A_2, %add3A_70 : i32
    "tpu.region"() ({
      %run_scoped3A = tpu.sem_alloc : memref<!tpu.dma_semaphore, #tpu.memory_space<semaphore_mem>>
      %dma_start3A_79 = arith.constant 0 : i32
      %dma_start3A_80 = tpu.memref_slice %arg4[%add3A_71, %dma_start3A_79] : memref<32768x128xi32, #tpu.memory_space<hbm>> -> memref<256x128xi32, #tpu.memory_space<hbm>>
      %dma_start3A_81 = arith.constant 0 : i32
      %dma_start3A_82 = tpu.memref_slice %arg4[%add3A_71, %dma_start3A_81] : memref<32768x128xi32, #tpu.memory_space<hbm>> -> memref<256x128xi32, #tpu.memory_space<hbm>>
      tpu.enqueue_dma source(%arg6 : memref<256x128xi32, #tpu.memory_space<vmem>>) target(%dma_start3A_82 : memref<256x128xi32, #tpu.memory_space<hbm>>) target_semaphore(%run_scoped3A : memref<!tpu.dma_semaphore, #tpu.memory_space<semaphore_mem>>)
      %dma_wait3A_83 = arith.constant 0 : i32
      %dma_wait3A_84 = tpu.memref_slice %arg4[%add3A_71, %dma_wait3A_83] : memref<32768x128xi32, #tpu.memory_space<hbm>> -> memref<256x128xi32, #tpu.memory_space<hbm>>
      %dma_wait3A_85 = arith.constant 0 : i32
      %dma_wait3A_86 = tpu.memref_slice %arg4[%add3A_71, %dma_wait3A_85] : memref<32768x128xi32, #tpu.memory_space<hbm>> -> memref<256x128xi32, #tpu.memory_space<hbm>>
      tpu.wait_dma2 semaphore(%run_scoped3A : memref<!tpu.dma_semaphore, #tpu.memory_space<semaphore_mem>>) src(%arg6 : memref<256x128xi32, #tpu.memory_space<vmem>>) dst(%dma_wait3A_86 : memref<256x128xi32, #tpu.memory_space<hbm>>)
      tpu.yield
    }) : () -> ()
    %dma_wait3A_72 = arith.constant 768 : i32
    %dma_wait3A_73 = tpu.memref_slice %arg5[%dma_wait3A_72] : memref<1024xi32, #tpu.memory_space<vmem>> -> memref<256xi32, #tpu.memory_space<vmem>>
    %dma_wait3A_74 = arith.constant 0 : i32
    %dma_wait3A_75 = arith.constant 0 : i32
    %dma_wait3A_76 = tpu.memref_slice %arg2[%dma_wait3A_74, %dma_wait3A_75] : memref<8192x128xi32, #tpu.memory_space<hbm>> -> memref<8192x128xi32, #tpu.memory_space<hbm>>
    tpu.wait_indirect_dma semaphore(%arg9 : memref<!tpu.dma_semaphore, #tpu.memory_space<semaphore_mem>>) src(%dma_wait3A_76 : memref<8192x128xi32, #tpu.memory_space<hbm>>) dst(%arg7 : memref<256x128xi32, #tpu.memory_space<vmem>>)
    %add3A_77 = arith.constant 768 : i32
    %add3A_78 = arith.addi %mul3A_2, %add3A_77 : i32
    "tpu.region"() ({
      %run_scoped3A = tpu.sem_alloc : memref<!tpu.dma_semaphore, #tpu.memory_space<semaphore_mem>>
      %dma_start3A_79 = arith.constant 0 : i32
      %dma_start3A_80 = tpu.memref_slice %arg4[%add3A_78, %dma_start3A_79] : memref<32768x128xi32, #tpu.memory_space<hbm>> -> memref<256x128xi32, #tpu.memory_space<hbm>>
      %dma_start3A_81 = arith.constant 0 : i32
      %dma_start3A_82 = tpu.memref_slice %arg4[%add3A_78, %dma_start3A_81] : memref<32768x128xi32, #tpu.memory_space<hbm>> -> memref<256x128xi32, #tpu.memory_space<hbm>>
      tpu.enqueue_dma source(%arg7 : memref<256x128xi32, #tpu.memory_space<vmem>>) target(%dma_start3A_82 : memref<256x128xi32, #tpu.memory_space<hbm>>) target_semaphore(%run_scoped3A : memref<!tpu.dma_semaphore, #tpu.memory_space<semaphore_mem>>)
      %dma_wait3A_83 = arith.constant 0 : i32
      %dma_wait3A_84 = tpu.memref_slice %arg4[%add3A_78, %dma_wait3A_83] : memref<32768x128xi32, #tpu.memory_space<hbm>> -> memref<256x128xi32, #tpu.memory_space<hbm>>
      %dma_wait3A_85 = arith.constant 0 : i32
      %dma_wait3A_86 = tpu.memref_slice %arg4[%add3A_78, %dma_wait3A_85] : memref<32768x128xi32, #tpu.memory_space<hbm>> -> memref<256x128xi32, #tpu.memory_space<hbm>>
      tpu.wait_dma2 semaphore(%run_scoped3A : memref<!tpu.dma_semaphore, #tpu.memory_space<semaphore_mem>>) src(%arg7 : memref<256x128xi32, #tpu.memory_space<vmem>>) dst(%dma_wait3A_86 : memref<256x128xi32, #tpu.memory_space<hbm>>)
      tpu.yield
    }) : () -> ()
    return
  }
}

module attributes {stable_mosaic.version = 14 : i64} {
  func.func @_k2(%arg0: i32, %arg1: i32, %arg2: memref<1x1024x192xf32, #tpu.memory_space<vmem>>, %arg3: memref<8x192xf32, #tpu.memory_space<vmem>>, %arg4: memref<1x192xf32, #tpu.memory_space<vmem>>, %arg5: memref<1x192xf32, #tpu.memory_space<vmem>>, %arg6: memref<192x192xf32, #tpu.memory_space<vmem>>, %arg7: memref<192x192xf32, #tpu.memory_space<vmem>>, %arg8: memref<1x192xf32, #tpu.memory_space<vmem>>, %arg9: memref<1x1024x192xf32, #tpu.memory_space<vmem>>, %arg10: memref<1x1024x256xf32, #tpu.memory_space<vmem>>, %arg11: memref<1x1024x128xi32, #tpu.memory_space<vmem>>) attributes {dimension_semantics = [#tpu.dimension_semantics<arbitrary>, #tpu.dimension_semantics<arbitrary>], iteration_bounds = array<i64: 8, 1>, scalar_prefetch = 0 : i64, scratch_operands = 0 : i64, tpu.core_type = #tpu.core_type<tc>, window_params = [{transform_indices = @transform_0, window_bounds = array<i64: 1, 1024, 192>}, {pipeline_mode = #tpu.pipeline_mode<synchronous>, transform_indices = @transform_1, window_bounds = array<i64: 8, 192>}, {pipeline_mode = #tpu.pipeline_mode<synchronous>, transform_indices = @transform_2, window_bounds = array<i64: 1, 192>}, {pipeline_mode = #tpu.pipeline_mode<synchronous>, transform_indices = @transform_3, window_bounds = array<i64: 1, 192>}, {pipeline_mode = #tpu.pipeline_mode<synchronous>, transform_indices = @transform_4, window_bounds = array<i64: 192, 192>}, {pipeline_mode = #tpu.pipeline_mode<synchronous>, transform_indices = @transform_5, window_bounds = array<i64: 192, 192>}, {pipeline_mode = #tpu.pipeline_mode<synchronous>, transform_indices = @transform_6, window_bounds = array<i64: 1, 192>}, {transform_indices = @transform_7, window_bounds = array<i64: 1, 1024, 192>}, {transform_indices = @transform_8, window_bounds = array<i64: 1, 1024, 256>}, {transform_indices = @transform_9, window_bounds = array<i64: 1, 1024, 128>}]} {
    %get3A = arith.constant 0 : index
    %get3A_0 = arith.constant 0 : index
    %get3A_1 = arith.constant 0 : index
    %get3A_2 = vector.load %arg2[%get3A, %get3A_0, %get3A_1] : memref<1x1024x192xf32, #tpu.memory_space<vmem>>, vector<1x1024x192xf32>
    %get3A_3 = vector.shape_cast %get3A_2 : vector<1x1024x192xf32> to vector<1024x192xf32>
    %get3A_4 = arith.constant 0 : index
    %get3A_5 = arith.constant 0 : index
    %get3A_6 = vector.load %arg3[%get3A_4, %get3A_5] : memref<8x192xf32, #tpu.memory_space<vmem>>, vector<1x192xf32>
    %mul3A = arith.constant 1.22070313E-4 : f32
    %mul3A_7 = vector.broadcast %mul3A : f32 to vector<1x192xf32>
    %mul3A_8 = arith.mulf %get3A_6, %mul3A_7 : vector<1x192xf32>
    %get3A_9 = arith.constant 1 : index
    %get3A_10 = arith.constant 0 : index
    %get3A_11 = vector.load %arg3[%get3A_9, %get3A_10] : memref<8x192xf32, #tpu.memory_space<vmem>>, vector<1x192xf32>
    %mul3A_12 = arith.constant 1.22070313E-4 : f32
    %mul3A_13 = vector.broadcast %mul3A_12 : f32 to vector<1x192xf32>
    %mul3A_14 = arith.mulf %get3A_11, %mul3A_13 : vector<1x192xf32>
    %mul3A_15 = arith.mulf %mul3A_8, %mul3A_8 : vector<1x192xf32>
    %sub3A = arith.subf %mul3A_14, %mul3A_15 : vector<1x192xf32>
    %add3A = arith.constant 9.99999974E-6 : f32
    %add3A_16 = vector.broadcast %add3A : f32 to vector<1x192xf32>
    %add3A_17 = arith.addf %sub3A, %add3A_16 : vector<1x192xf32>
    %sqrt3A = math.sqrt %add3A_17 : vector<1x192xf32>
    %div3A = arith.constant 1.000000e+00 : f32
    %div3A_18 = vector.broadcast %div3A : f32 to vector<1x192xf32>
    %div3A_19 = arith.divf %div3A_18, %sqrt3A : vector<1x192xf32>
    %sub3A_20 = vector.broadcast %mul3A_8 : vector<1x192xf32> to vector<1024x192xf32>
    %sub3A_21 = arith.subf %get3A_3, %sub3A_20 : vector<1024x192xf32>
    %mul3A_22 = vector.broadcast %div3A_19 : vector<1x192xf32> to vector<1024x192xf32>
    %mul3A_23 = arith.mulf %sub3A_21, %mul3A_22 : vector<1024x192xf32>
    %get3A_24 = arith.constant 0 : index
    %get3A_25 = arith.constant 0 : index
    %get3A_26 = vector.load %arg4[%get3A_24, %get3A_25] : memref<1x192xf32, #tpu.memory_space<vmem>>, vector<1x192xf32>
    %mul3A_27 = vector.broadcast %get3A_26 : vector<1x192xf32> to vector<1024x192xf32>
    %mul3A_28 = arith.mulf %mul3A_23, %mul3A_27 : vector<1024x192xf32>
    %get3A_29 = arith.constant 0 : index
    %get3A_30 = arith.constant 0 : index
    %get3A_31 = vector.load %arg5[%get3A_29, %get3A_30] : memref<1x192xf32, #tpu.memory_space<vmem>>, vector<1x192xf32>
    %add3A_32 = vector.broadcast %get3A_31 : vector<1x192xf32> to vector<1024x192xf32>
    %add3A_33 = arith.addf %mul3A_28, %add3A_32 : vector<1024x192xf32>
    %mul3A_34 = arith.constant 5.000000e-01 : f32
    %mul3A_35 = vector.broadcast %mul3A_34 : f32 to vector<1024x192xf32>
    %mul3A_36 = arith.mulf %mul3A_35, %add3A_33 : vector<1024x192xf32>
    %mul3A_37 = arith.constant 0.707106769 : f32
    %mul3A_38 = vector.broadcast %mul3A_37 : f32 to vector<1024x192xf32>
    %mul3A_39 = arith.mulf %add3A_33, %mul3A_38 : vector<1024x192xf32>
    %erf3A = math.erf %mul3A_39 : vector<1024x192xf32>
    %add3A_40 = arith.constant 1.000000e+00 : f32
    %add3A_41 = vector.broadcast %add3A_40 : f32 to vector<1024x192xf32>
    %add3A_42 = arith.addf %add3A_41, %erf3A : vector<1024x192xf32>
    %mul3A_43 = arith.mulf %mul3A_36, %add3A_42 : vector<1024x192xf32>
    %swap3A = arith.constant 0 : index
    %swap3A_44 = arith.constant 0 : index
    %swap3A_45 = arith.constant 0 : index
    %swap3A_46 = vector.load %arg9[%swap3A, %swap3A_44, %swap3A_45] : memref<1x1024x192xf32, #tpu.memory_space<vmem>>, vector<1x1024x192xf32>
    %swap3A_47 = vector.shape_cast %swap3A_46 : vector<1x1024x192xf32> to vector<1024x192xf32>
    %swap3A_48 = vector.shape_cast %mul3A_43 : vector<1024x192xf32> to vector<1x1024x192xf32>
    tpu.vector_store %arg9[%swap3A, %swap3A_44, %swap3A_45], %swap3A_48 {strides = array<i32>} : memref<1x1024x192xf32, #tpu.memory_space<vmem>>, vector<1x1024x192xf32>,
    %broadcast_in_dim3A = arith.constant 0.000000e+00 : f32
    %broadcast_in_dim3A_49 = vector.broadcast %broadcast_in_dim3A : f32 to vector<192x64xf32>
    %get3A_50 = arith.constant 0 : index
    %get3A_51 = arith.constant 0 : index
    %get3A_52 = vector.load %arg6[%get3A_50, %get3A_51] : memref<192x192xf32, #tpu.memory_space<vmem>>, vector<192x192xf32>
    %concatenate3A = tpu.concatenate %get3A_52, %broadcast_in_dim3A_49 in 1 : vector<192x192xf32>, vector<192x64xf32> -> vector<192x256xf32>
    %get3A_53 = arith.constant 0 : index
    %get3A_54 = arith.constant 0 : index
    %get3A_55 = vector.load %arg7[%get3A_53, %get3A_54] : memref<192x192xf32, #tpu.memory_space<vmem>>, vector<192x192xf32>
    %concatenate3A_56 = tpu.concatenate %get3A_55, %broadcast_in_dim3A_49 in 1 : vector<192x192xf32>, vector<192x64xf32> -> vector<192x256xf32>
    %get3A_57 = arith.constant 0 : index
    %get3A_58 = arith.constant 0 : index
    %get3A_59 = vector.load %arg8[%get3A_57, %get3A_58] : memref<1x192xf32, #tpu.memory_space<vmem>>, vector<1x192xf32>
    %broadcast_in_dim3A_60 = arith.constant 0.000000e+00 : f32
    %broadcast_in_dim3A_61 = vector.broadcast %broadcast_in_dim3A_60 : f32 to vector<1x64xf32>
    %concatenate3A_62 = tpu.concatenate %get3A_59, %broadcast_in_dim3A_61 in 1 : vector<1x192xf32>, vector<1x64xf32> -> vector<1x256xf32>
    %dot_general3A = arith.constant dense<0.000000e+00> : vector<1024x256xf32>
    %dot_general3A_63 = tpu.matmul %mul3A_43, %concatenate3A, %dot_general3A {dimension_numbers = #tpu.dot_dimension_numbers<[1], [0], [0], [1], [0, 0, 1, 1], [], []>, transpose_lhs_hint = false} : vector<1024x192xf32>, vector<192x256xf32>, vector<1024x256xf32> -> vector<1024x256xf32>
    %add3A_64 = vector.broadcast %concatenate3A_62 : vector<1x256xf32> to vector<1024x256xf32>
    %add3A_65 = arith.addf %dot_general3A_63, %add3A_64 : vector<1024x256xf32>
    %swap3A_66 = arith.constant 0 : index
    %swap3A_67 = arith.constant 0 : index
    %swap3A_68 = arith.constant 0 : index
    %swap3A_69 = vector.load %arg10[%swap3A_66, %swap3A_67, %swap3A_68] : memref<1x1024x256xf32, #tpu.memory_space<vmem>>, vector<1x1024x256xf32>
    %swap3A_70 = vector.shape_cast %swap3A_69 : vector<1x1024x256xf32> to vector<1024x256xf32>
    %swap3A_71 = vector.shape_cast %add3A_65 : vector<1024x256xf32> to vector<1x1024x256xf32>
    tpu.vector_store %arg10[%swap3A_66, %swap3A_67, %swap3A_68], %swap3A_71 {strides = array<i32>} : memref<1x1024x256xf32, #tpu.memory_space<vmem>>, vector<1x1024x256xf32>,
    %dot_general3A_72 = arith.constant dense<0.000000e+00> : vector<1024x256xf32>
    %dot_general3A_73 = tpu.matmul %mul3A_43, %concatenate3A_56, %dot_general3A_72 {dimension_numbers = #tpu.dot_dimension_numbers<[1], [0], [0], [1], [0, 0, 1, 1], [], []>, transpose_lhs_hint = false} : vector<1024x192xf32>, vector<192x256xf32>, vector<1024x256xf32> -> vector<1024x256xf32>
    %bitcast_convert_type3A = tpu.bitcast %dot_general3A_73 : vector<1024x256xf32> -> vector<1024x256xi32>
    %add3A_74 = arith.constant 32767 : i32
    %add3A_75 = vector.broadcast %add3A_74 : i32 to vector<1024x256xi32>
    %add3A_76 = arith.addi %bitcast_convert_type3A, %add3A_75 : vector<1024x256xi32>
    %shift_right_logical3A = arith.constant 16 : i32
    %shift_right_logical3A_77 = vector.broadcast %shift_right_logical3A : i32 to vector<1024x256xi32>
    %shift_right_logical3A_78 = arith.shrui %bitcast_convert_type3A, %shift_right_logical3A_77 : vector<1024x256xi32>
    %and3A = arith.constant 1 : i32
    %and3A_79 = vector.broadcast %and3A : i32 to vector<1024x256xi32>
    %and3A_80 = arith.andi %shift_right_logical3A_78, %and3A_79 : vector<1024x256xi32>
    %add3A_81 = arith.addi %add3A_76, %and3A_80 : vector<1024x256xi32>
    %and3A_82 = arith.constant -65536 : i32
    %and3A_83 = vector.broadcast %and3A_82 : i32 to vector<1024x256xi32>
    %and3A_84 = arith.andi %add3A_81, %and3A_83 : vector<1024x256xi32>
    %slice3A = vector.extract_strided_slice %and3A_84 {offsets = [0, 0], sizes = [1024, 128], strides = [1, 1]} : vector<1024x256xi32> to vector<1024x128xi32>
    %slice3A_85 = vector.extract_strided_slice %and3A_84 {offsets = [0, 128], sizes = [1024, 128], strides = [1, 1]} : vector<1024x256xi32> to vector<1024x128xi32>
    %shift_right_logical3A_86 = arith.constant 16 : i32
    %shift_right_logical3A_87 = vector.broadcast %shift_right_logical3A_86 : i32 to vector<1024x128xi32>
    %shift_right_logical3A_88 = arith.shrui %slice3A, %shift_right_logical3A_87 : vector<1024x128xi32>
    %or3A = arith.ori %slice3A_85, %shift_right_logical3A_88 : vector<1024x128xi32>
    %bitcast_convert_type3A_89 = tpu.bitcast %or3A : vector<1024x128xi32> -> vector<1024x128xi32>
    %swap3A_90 = arith.constant 0 : index
    %swap3A_91 = arith.constant 0 : index
    %swap3A_92 = arith.constant 0 : index
    %swap3A_93 = vector.load %arg11[%swap3A_90, %swap3A_91, %swap3A_92] : memref<1x1024x128xi32, #tpu.memory_space<vmem>>, vector<1x1024x128xi32>
    %swap3A_94 = vector.shape_cast %swap3A_93 : vector<1x1024x128xi32> to vector<1024x128xi32>
    %swap3A_95 = vector.shape_cast %bitcast_convert_type3A_89 : vector<1024x128xi32> to vector<1x1024x128xi32>
    tpu.vector_store %arg11[%swap3A_90, %swap3A_91, %swap3A_92], %swap3A_95 {strides = array<i32>} : memref<1x1024x128xi32, #tpu.memory_space<vmem>>, vector<1x1024x128xi32>,
    return
  }
  func.func @transform_0(%arg0: i32, %arg1: i32) -> (i32, i32, i32) {
    %c0_i32 = arith.constant 0 : i32
    %c0_i32_0 = arith.constant 0 : i32
    return %arg0, %arg1, %c0_i32 : i32, i32, i32
  }
  func.func @transform_1(%arg0: i32, %arg1: i32) -> (i32, i32) {
    %c0_i32 = arith.constant 0 : i32
    %c0_i32_0 = arith.constant 0 : i32
    %c0_i32_1 = arith.constant 0 : i32
    return %c0_i32, %c0_i32_0 : i32, i32
  }
  func.func @transform_2(%arg0: i32, %arg1: i32) -> (i32, i32) {
    %c0_i32 = arith.constant 0 : i32
    %c0_i32_0 = arith.constant 0 : i32
    %c0_i32_1 = arith.constant 0 : i32
    return %c0_i32, %c0_i32_0 : i32, i32
  }
  func.func @transform_3(%arg0: i32, %arg1: i32) -> (i32, i32) {
    %c0_i32 = arith.constant 0 : i32
    %c0_i32_0 = arith.constant 0 : i32
    %c0_i32_1 = arith.constant 0 : i32
    return %c0_i32, %c0_i32_0 : i32, i32
  }
  func.func @transform_4(%arg0: i32, %arg1: i32) -> (i32, i32) {
    %c0_i32 = arith.constant 0 : i32
    %c0_i32_0 = arith.constant 0 : i32
    %c0_i32_1 = arith.constant 0 : i32
    return %c0_i32, %c0_i32_0 : i32, i32
  }
  func.func @transform_5(%arg0: i32, %arg1: i32) -> (i32, i32) {
    %c0_i32 = arith.constant 0 : i32
    %c0_i32_0 = arith.constant 0 : i32
    %c0_i32_1 = arith.constant 0 : i32
    return %c0_i32, %c0_i32_0 : i32, i32
  }
  func.func @transform_6(%arg0: i32, %arg1: i32) -> (i32, i32) {
    %c0_i32 = arith.constant 0 : i32
    %c0_i32_0 = arith.constant 0 : i32
    %c0_i32_1 = arith.constant 0 : i32
    return %c0_i32, %c0_i32_0 : i32, i32
  }
  func.func @transform_7(%arg0: i32, %arg1: i32) -> (i32, i32, i32) {
    %c0_i32 = arith.constant 0 : i32
    %c0_i32_0 = arith.constant 0 : i32
    return %arg0, %arg1, %c0_i32 : i32, i32, i32
  }
  func.func @transform_8(%arg0: i32, %arg1: i32) -> (i32, i32, i32) {
    %c0_i32 = arith.constant 0 : i32
    %c0_i32_0 = arith.constant 0 : i32
    return %arg0, %arg1, %c0_i32 : i32, i32, i32
  }
  func.func @transform_9(%arg0: i32, %arg1: i32) -> (i32, i32, i32) {
    %c0_i32 = arith.constant 0 : i32
    %c0_i32_0 = arith.constant 0 : i32
    return %arg0, %arg1, %c0_i32 : i32, i32, i32
  }
}

module attributes {stable_mosaic.version = 14 : i64} {
  func.func @_k1(%arg0: i32, %arg1: i32, %arg2: memref<1x1024x192xf32, #tpu.memory_space<vmem>>, %arg3: memref<192x192xf32, #tpu.memory_space<vmem>>, %arg4: memref<1x192xf32, #tpu.memory_space<vmem>>, %arg5: memref<1x1024x192xf32, #tpu.memory_space<vmem>>, %arg6: memref<8x192xf32, #tpu.memory_space<vmem>>) attributes {dimension_semantics = [#tpu.dimension_semantics<arbitrary>, #tpu.dimension_semantics<arbitrary>], iteration_bounds = array<i64: 8, 1>, scalar_prefetch = 0 : i64, scratch_operands = 0 : i64, tpu.core_type = #tpu.core_type<tc>, window_params = [{transform_indices = @transform_0, window_bounds = array<i64: 1, 1024, 192>}, {pipeline_mode = #tpu.pipeline_mode<synchronous>, transform_indices = @transform_1, window_bounds = array<i64: 192, 192>}, {pipeline_mode = #tpu.pipeline_mode<synchronous>, transform_indices = @transform_2, window_bounds = array<i64: 1, 192>}, {transform_indices = @transform_3, window_bounds = array<i64: 1, 1024, 192>}, {pipeline_mode = #tpu.pipeline_mode<synchronous>, transform_indices = @transform_4, window_bounds = array<i64: 8, 192>}]} {
    %get3A = arith.constant 0 : index
    %get3A_0 = arith.constant 0 : index
    %get3A_1 = arith.constant 0 : index
    %get3A_2 = vector.load %arg2[%get3A, %get3A_0, %get3A_1] : memref<1x1024x192xf32, #tpu.memory_space<vmem>>, vector<1x1024x192xf32>
    %get3A_3 = vector.shape_cast %get3A_2 : vector<1x1024x192xf32> to vector<1024x192xf32>
    %get3A_4 = arith.constant 0 : index
    %get3A_5 = arith.constant 0 : index
    %get3A_6 = vector.load %arg3[%get3A_4, %get3A_5] : memref<192x192xf32, #tpu.memory_space<vmem>>, vector<192x192xf32>
    %dot_general3A = arith.constant dense<0.000000e+00> : vector<1024x192xf32>
    %dot_general3A_7 = tpu.matmul %get3A_3, %get3A_6, %dot_general3A {dimension_numbers = #tpu.dot_dimension_numbers<[1], [0], [0], [1], [0, 0, 1, 1], [], []>, transpose_lhs_hint = false} : vector<1024x192xf32>, vector<192x192xf32>, vector<1024x192xf32> -> vector<1024x192xf32>
    %get3A_8 = arith.constant 0 : index
    %get3A_9 = arith.constant 0 : index
    %get3A_10 = vector.load %arg4[%get3A_8, %get3A_9] : memref<1x192xf32, #tpu.memory_space<vmem>>, vector<1x192xf32>
    %add3A = vector.broadcast %get3A_10 : vector<1x192xf32> to vector<1024x192xf32>
    %add3A_11 = arith.addf %dot_general3A_7, %add3A : vector<1024x192xf32>
    %swap3A = arith.constant 0 : index
    %swap3A_12 = arith.constant 0 : index
    %swap3A_13 = arith.constant 0 : index
    %swap3A_14 = vector.load %arg5[%swap3A, %swap3A_12, %swap3A_13] : memref<1x1024x192xf32, #tpu.memory_space<vmem>>, vector<1x1024x192xf32>
    %swap3A_15 = vector.shape_cast %swap3A_14 : vector<1x1024x192xf32> to vector<1024x192xf32>
    %swap3A_16 = vector.shape_cast %add3A_11 : vector<1024x192xf32> to vector<1x1024x192xf32>
    tpu.vector_store %arg5[%swap3A, %swap3A_12, %swap3A_13], %swap3A_16 {strides = array<i32>} : memref<1x1024x192xf32, #tpu.memory_space<vmem>>, vector<1x1024x192xf32>,
    %eq3A = arith.constant 0 : i32
    %eq3A_17 = arith.cmpi eq, %arg0, %eq3A : i32
    %eq3A_18 = arith.constant 0 : i32
    %eq3A_19 = arith.cmpi eq, %arg1, %eq3A_18 : i32
    %and3A = arith.andi %eq3A_17, %eq3A_19 : i1
    %reduce_sum3A = arith.constant dense<0.000000e+00> : vector<192xf32>
    %reduce_sum3A_20 = vector.multi_reduction <add>, %add3A_11, %reduce_sum3A [0] : vector<1024x192xf32> to vector<192xf32>
    %broadcast_in_dim3A = vector.shape_cast %reduce_sum3A_20 : vector<192xf32> to vector<1x192xf32>
    %mul3A = arith.mulf %add3A_11, %add3A_11 : vector<1024x192xf32>
    %reduce_sum3A_21 = arith.constant dense<0.000000e+00> : vector<192xf32>
    %reduce_sum3A_22 = vector.multi_reduction <add>, %mul3A, %reduce_sum3A_21 [0] : vector<1024x192xf32> to vector<192xf32>
    %broadcast_in_dim3A_23 = vector.shape_cast %reduce_sum3A_22 : vector<192xf32> to vector<1x192xf32>
    %broadcast_in_dim3A_24 = arith.constant 0.000000e+00 : f32
    %broadcast_in_dim3A_25 = vector.broadcast %broadcast_in_dim3A_24 : f32 to vector<6x192xf32>
    %concatenate3A = tpu.concatenate %broadcast_in_dim3A, %broadcast_in_dim3A_23, %broadcast_in_dim3A_25 in 0 : vector<1x192xf32>, vector<1x192xf32>, vector<6x192xf32> -> vector<8x192xf32>
    %convert_element_type3A = arith.extui %and3A : i1 to i32
    %cond3A = arith.constant 0 : i32
    %cond3A_26 = arith.cmpi ne, %convert_element_type3A, %cond3A : i32
    scf.if %cond3A_26 {
      %swap3A_31 = arith.constant 0 : index
      %swap3A_32 = arith.constant 0 : index
      %swap3A_33 = vector.load %arg6[%swap3A_31, %swap3A_32] : memref<8x192xf32, #tpu.memory_space<vmem>>, vector<8x192xf32>
      tpu.vector_store %arg6[%swap3A_31, %swap3A_32], %concatenate3A {strides = array<i32>} : memref<8x192xf32, #tpu.memory_space<vmem>>, vector<8x192xf32>,
    } else {
    }
    %not3A = arith.constant true
    %not3A_27 = arith.xori %and3A, %not3A : i1
    %convert_element_type3A_28 = arith.extui %not3A_27 : i1 to i32
    %cond3A_29 = arith.constant 0 : i32
    %cond3A_30 = arith.cmpi ne, %convert_element_type3A_28, %cond3A_29 : i32
    scf.if %cond3A_30 {
      %get3A_31 = arith.constant 0 : index
      %get3A_32 = arith.constant 0 : index
      %get3A_33 = vector.load %arg6[%get3A_31, %get3A_32] : memref<8x192xf32, #tpu.memory_space<vmem>>, vector<8x192xf32>
      %add3A_34 = arith.addf %get3A_33, %concatenate3A : vector<8x192xf32>
      %swap3A_35 = arith.constant 0 : index
      %swap3A_36 = arith.constant 0 : index
      %swap3A_37 = vector.load %arg6[%swap3A_35, %swap3A_36] : memref<8x192xf32, #tpu.memory_space<vmem>>, vector<8x192xf32>
      tpu.vector_store %arg6[%swap3A_35, %swap3A_36], %add3A_34 {strides = array<i32>} : memref<8x192xf32, #tpu.memory_space<vmem>>, vector<8x192xf32>,
    } else {
    }
    return
  }
  func.func @transform_0(%arg0: i32, %arg1: i32) -> (i32, i32, i32) {
    %c0_i32 = arith.constant 0 : i32
    %c0_i32_0 = arith.constant 0 : i32
    return %arg0, %arg1, %c0_i32 : i32, i32, i32
  }
  func.func @transform_1(%arg0: i32, %arg1: i32) -> (i32, i32) {
    %c0_i32 = arith.constant 0 : i32
    %c0_i32_0 = arith.constant 0 : i32
    %c0_i32_1 = arith.constant 0 : i32
    return %c0_i32, %c0_i32_0 : i32, i32
  }
  func.func @transform_2(%arg0: i32, %arg1: i32) -> (i32, i32) {
    %c0_i32 = arith.constant 0 : i32
    %c0_i32_0 = arith.constant 0 : i32
    %c0_i32_1 = arith.constant 0 : i32
    return %c0_i32, %c0_i32_0 : i32, i32
  }
  func.func @transform_3(%arg0: i32, %arg1: i32) -> (i32, i32, i32) {
    %c0_i32 = arith.constant 0 : i32
    %c0_i32_0 = arith.constant 0 : i32
    return %arg0, %arg1, %c0_i32 : i32, i32, i32
  }
  func.func @transform_4(%arg0: i32, %arg1: i32) -> (i32, i32) {
    %c0_i32 = arith.constant 0 : i32
    %c0_i32_0 = arith.constant 0 : i32
    %c0_i32_1 = arith.constant 0 : i32
    return %c0_i32, %c0_i32_0 : i32, i32
  }
}

module attributes {stable_mosaic.version = 14 : i64} {
  func.func @_k3(%arg0: i32, %arg1: i32, %arg2: memref<1x1024x192xf32, #tpu.memory_space<vmem>>, %arg3: memref<1x1024x192xf32, #tpu.memory_space<vmem>>, %arg4: memref<1x8x1024xi32, #tpu.memory_space<vmem>>) attributes {dimension_semantics = [#tpu.dimension_semantics<arbitrary>, #tpu.dimension_semantics<arbitrary>], iteration_bounds = array<i64: 4, 1>, scalar_prefetch = 0 : i64, scratch_operands = 0 : i64, tpu.core_type = #tpu.core_type<tc>, window_params = [{transform_indices = @transform_0, window_bounds = array<i64: 1, 1024, 192>}, {transform_indices = @transform_1, window_bounds = array<i64: 1, 1024, 192>}, {transform_indices = @transform_2, window_bounds = array<i64: 1, 8, 1024>}]} {
    %add3A = arith.constant 0 : i32
    %add3A_0 = arith.addi %arg0, %add3A : i32
    %get3A = arith.constant 0 : index
    %get3A_1 = arith.constant 0 : index
    %get3A_2 = arith.constant 0 : index
    %get3A_3 = vector.load %arg2[%get3A, %get3A_1, %get3A_2] : memref<1x1024x192xf32, #tpu.memory_space<vmem>>, vector<1x1024x192xf32>
    %get3A_4 = vector.shape_cast %get3A_3 : vector<1x1024x192xf32> to vector<1024x192xf32>
    %get3A_5 = arith.constant 0 : index
    %get3A_6 = arith.constant 0 : index
    %get3A_7 = arith.constant 0 : index
    %get3A_8 = vector.load %arg3[%get3A_5, %get3A_6, %get3A_7] : memref<1x1024x192xf32, #tpu.memory_space<vmem>>, vector<1x1024x192xf32>
    %get3A_9 = vector.shape_cast %get3A_8 : vector<1x1024x192xf32> to vector<1024x192xf32>
    %dot_general3A = arith.constant dense<0.000000e+00> : vector<1024x1024xf32>
    %dot_general3A_10 = tpu.matmul %get3A_9, %get3A_4, %dot_general3A {dimension_numbers = #tpu.dot_dimension_numbers<[1], [1], [0], [0], [0, 0, 1, 0], [], []>, transpose_lhs_hint = false} : vector<1024x192xf32>, vector<1024x192xf32>, vector<1024x1024xf32> -> vector<1024x1024xf32>
    %mul3A = arith.mulf %get3A_9, %get3A_9 : vector<1024x192xf32>
    %reduce_sum3A = arith.constant dense<0.000000e+00> : vector<1024xf32>
    %reduce_sum3A_11 = vector.multi_reduction <add>, %mul3A, %reduce_sum3A [1] : vector<1024x192xf32> to vector<1024xf32>
    %broadcast_in_dim3A = vector.shape_cast %reduce_sum3A_11 : vector<1024xf32> to vector<1024x1xf32>
    %mul3A_12 = arith.mulf %get3A_4, %get3A_4 : vector<1024x192xf32>
    %reduce_sum3A_13 = arith.constant dense<0.000000e+00> : vector<1024xf32>
    %reduce_sum3A_14 = vector.multi_reduction <add>, %mul3A_12, %reduce_sum3A_13 [1] : vector<1024x192xf32> to vector<1024xf32>
    %reshape3A = vector.shape_cast %reduce_sum3A_14 : vector<1024xf32> to vector<1x1024xf32>
    %add3A_15 = vector.broadcast %broadcast_in_dim3A : vector<1024x1xf32> to vector<1024x1024xf32>
    %add3A_16 = vector.broadcast %reshape3A : vector<1x1024xf32> to vector<1024x1024xf32>
    %add3A_17 = arith.addf %add3A_15, %add3A_16 : vector<1024x1024xf32>
    %mul3A_18 = arith.constant 2.000000e+00 : f32
    %mul3A_19 = vector.broadcast %mul3A_18 : f32 to vector<1024x1024xf32>
    %mul3A_20 = arith.mulf %mul3A_19, %dot_general3A_10 : vector<1024x1024xf32>
    %sub3A = arith.subf %add3A_17, %mul3A_20 : vector<1024x1024xf32>
    %max3A = arith.constant 0.000000e+00 : f32
    %max3A_21 = vector.broadcast %max3A : f32 to vector<1024x1024xf32>
    %max3A_22 = arith.maximumf %sub3A, %max3A_21 : vector<1024x1024xf32>
    %iota3A = tpu.iota {dimensions = array<i32: 1>} : vector<1024x1024xi32>
    %iota3A_23 = tpu.iota {dimensions = array<i32: 0>} : vector<1024x1024xi32>
    %mul3A_24 = arith.constant 1024 : i32
    %mul3A_25 = arith.muli %arg1, %mul3A_24 : i32
    %add3A_26 = vector.broadcast %mul3A_25 : i32 to vector<1024x1024xi32>
    %add3A_27 = arith.addi %iota3A_23, %add3A_26 : vector<1024x1024xi32>
    %eq3A = arith.cmpi eq, %iota3A, %add3A_27 : vector<1024x1024xi32>
    %jit3A = arith.constant 3.000000e+38 : f32
    %broadcast_in_dim3A_28 = vector.broadcast %jit3A : f32 to vector<1024x1024xf32>
    %select_n3A = arith.select %eq3A, %broadcast_in_dim3A_28, %max3A_22 : vector<1024x1024xi1>, vector<1024x1024xf32>
    %mul3A_29 = arith.constant 1024 : i32
    %mul3A_30 = arith.muli %add3A_0, %mul3A_29 : i32
    %reduce_min3A = arith.constant dense<0x7F800000> : vector<1024xf32>
    %reduce_min3A_31 = vector.multi_reduction <minimumf>, %select_n3A, %reduce_min3A [1] : vector<1024x1024xf32> to vector<1024xf32>
    %broadcast_in_dim3A_32 = vector.shape_cast %reduce_min3A_31 : vector<1024xf32> to vector<1024x1xf32>
    %eq3A_33 = vector.broadcast %broadcast_in_dim3A_32 : vector<1024x1xf32> to vector<1024x1024xf32>
    %eq3A_34 = arith.cmpf oeq, %select_n3A, %eq3A_33 : vector<1024x1024xf32>
    %jit3A_35 = arith.constant 1073741824 : i32
    %broadcast_in_dim3A_36 = vector.broadcast %jit3A_35 : i32 to vector<1024x1024xi32>
    %select_n3A_37 = arith.select %eq3A_34, %iota3A, %broadcast_in_dim3A_36 : vector<1024x1024xi1>, vector<1024x1024xi32>
    %reduce_min3A_38 = arith.constant dense<2147483647> : vector<1024xi32>
    %reduce_min3A_39 = vector.multi_reduction <minsi>, %select_n3A_37, %reduce_min3A_38 [1] : vector<1024x1024xi32> to vector<1024xi32>
    %add3A_40 = vector.broadcast %mul3A_30 : i32 to vector<1024xi32>
    %add3A_41 = arith.addi %reduce_min3A_39, %add3A_40 : vector<1024xi32>
    %jit3A_42 = arith.constant 3.000000e+38 : f32
    %broadcast_in_dim3A_43 = vector.broadcast %jit3A_42 : f32 to vector<1024x1024xf32>
    %select_n3A_44 = arith.select %eq3A_34, %broadcast_in_dim3A_43, %select_n3A : vector<1024x1024xi1>, vector<1024x1024xf32>
    %reduce_min3A_45 = arith.constant dense<0x7F800000> : vector<1024xf32>
    %reduce_min3A_46 = vector.multi_reduction <minimumf>, %select_n3A_44, %reduce_min3A_45 [1] : vector<1024x1024xf32> to vector<1024xf32>
    %broadcast_in_dim3A_47 = vector.shape_cast %reduce_min3A_46 : vector<1024xf32> to vector<1024x1xf32>
    %eq3A_48 = vector.broadcast %broadcast_in_dim3A_47 : vector<1024x1xf32> to vector<1024x1024xf32>
    %eq3A_49 = arith.cmpf oeq, %select_n3A_44, %eq3A_48 : vector<1024x1024xf32>
    %jit3A_50 = arith.constant 1073741824 : i32
    %broadcast_in_dim3A_51 = vector.broadcast %jit3A_50 : i32 to vector<1024x1024xi32>
    %select_n3A_52 = arith.select %eq3A_49, %iota3A, %broadcast_in_dim3A_51 : vector<1024x1024xi1>, vector<1024x1024xi32>
    %reduce_min3A_53 = arith.constant dense<2147483647> : vector<1024xi32>
    %reduce_min3A_54 = vector.multi_reduction <minsi>, %select_n3A_52, %reduce_min3A_53 [1] : vector<1024x1024xi32> to vector<1024xi32>
    %add3A_55 = vector.broadcast %mul3A_30 : i32 to vector<1024xi32>
    %add3A_56 = arith.addi %reduce_min3A_54, %add3A_55 : vector<1024xi32>
    %jit3A_57 = arith.constant 3.000000e+38 : f32
    %broadcast_in_dim3A_58 = vector.broadcast %jit3A_57 : f32 to vector<1024x1024xf32>
    %select_n3A_59 = arith.select %eq3A_49, %broadcast_in_dim3A_58, %select_n3A_44 : vector<1024x1024xi1>, vector<1024x1024xf32>
    %reduce_min3A_60 = arith.constant dense<0x7F800000> : vector<1024xf32>
    %reduce_min3A_61 = vector.multi_reduction <minimumf>, %select_n3A_59, %reduce_min3A_60 [1] : vector<1024x1024xf32> to vector<1024xf32>
    %broadcast_in_dim3A_62 = vector.shape_cast %reduce_min3A_61 : vector<1024xf32> to vector<1024x1xf32>
    %eq3A_63 = vector.broadcast %broadcast_in_dim3A_62 : vector<1024x1xf32> to vector<1024x1024xf32>
    %eq3A_64 = arith.cmpf oeq, %select_n3A_59, %eq3A_63 : vector<1024x1024xf32>
    %jit3A_65 = arith.constant 1073741824 : i32
    %broadcast_in_dim3A_66 = vector.broadcast %jit3A_65 : i32 to vector<1024x1024xi32>
    %select_n3A_67 = arith.select %eq3A_64, %iota3A, %broadcast_in_dim3A_66 : vector<1024x1024xi1>, vector<1024x1024xi32>
    %reduce_min3A_68 = arith.constant dense<2147483647> : vector<1024xi32>
    %reduce_min3A_69 = vector.multi_reduction <minsi>, %select_n3A_67, %reduce_min3A_68 [1] : vector<1024x1024xi32> to vector<1024xi32>
    %add3A_70 = vector.broadcast %mul3A_30 : i32 to vector<1024xi32>
    %add3A_71 = arith.addi %reduce_min3A_69, %add3A_70 : vector<1024xi32>
    %jit3A_72 = arith.constant 3.000000e+38 : f32
    %broadcast_in_dim3A_73 = vector.broadcast %jit3A_72 : f32 to vector<1024x1024xf32>
    %select_n3A_74 = arith.select %eq3A_64, %broadcast_in_dim3A_73, %select_n3A_59 : vector<1024x1024xi1>, vector<1024x1024xf32>
    %reduce_min3A_75 = arith.constant dense<0x7F800000> : vector<1024xf32>
    %reduce_min3A_76 = vector.multi_reduction <minimumf>, %select_n3A_74, %reduce_min3A_75 [1] : vector<1024x1024xf32> to vector<1024xf32>
    %broadcast_in_dim3A_77 = vector.shape_cast %reduce_min3A_76 : vector<1024xf32> to vector<1024x1xf32>
    %eq3A_78 = vector.broadcast %broadcast_in_dim3A_77 : vector<1024x1xf32> to vector<1024x1024xf32>
    %eq3A_79 = arith.cmpf oeq, %select_n3A_74, %eq3A_78 : vector<1024x1024xf32>
    %jit3A_80 = arith.constant 1073741824 : i32
    %broadcast_in_dim3A_81 = vector.broadcast %jit3A_80 : i32 to vector<1024x1024xi32>
    %select_n3A_82 = arith.select %eq3A_79, %iota3A, %broadcast_in_dim3A_81 : vector<1024x1024xi1>, vector<1024x1024xi32>
    %reduce_min3A_83 = arith.constant dense<2147483647> : vector<1024xi32>
    %reduce_min3A_84 = vector.multi_reduction <minsi>, %select_n3A_82, %reduce_min3A_83 [1] : vector<1024x1024xi32> to vector<1024xi32>
    %add3A_85 = vector.broadcast %mul3A_30 : i32 to vector<1024xi32>
    %add3A_86 = arith.addi %reduce_min3A_84, %add3A_85 : vector<1024xi32>
    %jit3A_87 = arith.constant 3.000000e+38 : f32
    %broadcast_in_dim3A_88 = vector.broadcast %jit3A_87 : f32 to vector<1024x1024xf32>
    %select_n3A_89 = arith.select %eq3A_79, %broadcast_in_dim3A_88, %select_n3A_74 : vector<1024x1024xi1>, vector<1024x1024xf32>
    %reduce_min3A_90 = arith.constant dense<0x7F800000> : vector<1024xf32>
    %reduce_min3A_91 = vector.multi_reduction <minimumf>, %select_n3A_89, %reduce_min3A_90 [1] : vector<1024x1024xf32> to vector<1024xf32>
    %broadcast_in_dim3A_92 = vector.shape_cast %reduce_min3A_91 : vector<1024xf32> to vector<1024x1xf32>
    %eq3A_93 = vector.broadcast %broadcast_in_dim3A_92 : vector<1024x1xf32> to vector<1024x1024xf32>
    %eq3A_94 = arith.cmpf oeq, %select_n3A_89, %eq3A_93 : vector<1024x1024xf32>
    %jit3A_95 = arith.constant 1073741824 : i32
    %broadcast_in_dim3A_96 = vector.broadcast %jit3A_95 : i32 to vector<1024x1024xi32>
    %select_n3A_97 = arith.select %eq3A_94, %iota3A, %broadcast_in_dim3A_96 : vector<1024x1024xi1>, vector<1024x1024xi32>
    %reduce_min3A_98 = arith.constant dense<2147483647> : vector<1024xi32>
    %reduce_min3A_99 = vector.multi_reduction <minsi>, %select_n3A_97, %reduce_min3A_98 [1] : vector<1024x1024xi32> to vector<1024xi32>
    %add3A_100 = vector.broadcast %mul3A_30 : i32 to vector<1024xi32>
    %add3A_101 = arith.addi %reduce_min3A_99, %add3A_100 : vector<1024xi32>
    %jit3A_102 = arith.constant 3.000000e+38 : f32
    %broadcast_in_dim3A_103 = vector.broadcast %jit3A_102 : f32 to vector<1024x1024xf32>
    %select_n3A_104 = arith.select %eq3A_94, %broadcast_in_dim3A_103, %select_n3A_89 : vector<1024x1024xi1>, vector<1024x1024xf32>
    %reduce_min3A_105 = arith.constant dense<0x7F800000> : vector<1024xf32>
    %reduce_min3A_106 = vector.multi_reduction <minimumf>, %select_n3A_104, %reduce_min3A_105 [1] : vector<1024x1024xf32> to vector<1024xf32>
    %broadcast_in_dim3A_107 = vector.shape_cast %reduce_min3A_106 : vector<1024xf32> to vector<1024x1xf32>
    %eq3A_108 = vector.broadcast %broadcast_in_dim3A_107 : vector<1024x1xf32> to vector<1024x1024xf32>
    %eq3A_109 = arith.cmpf oeq, %select_n3A_104, %eq3A_108 : vector<1024x1024xf32>
    %jit3A_110 = arith.constant 1073741824 : i32
    %broadcast_in_dim3A_111 = vector.broadcast %jit3A_110 : i32 to vector<1024x1024xi32>
    %select_n3A_112 = arith.select %eq3A_109, %iota3A, %broadcast_in_dim3A_111 : vector<1024x1024xi1>, vector<1024x1024xi32>
    %reduce_min3A_113 = arith.constant dense<2147483647> : vector<1024xi32>
    %reduce_min3A_114 = vector.multi_reduction <minsi>, %select_n3A_112, %reduce_min3A_113 [1] : vector<1024x1024xi32> to vector<1024xi32>
    %add3A_115 = vector.broadcast %mul3A_30 : i32 to vector<1024xi32>
    %add3A_116 = arith.addi %reduce_min3A_114, %add3A_115 : vector<1024xi32>
    %jit3A_117 = arith.constant 3.000000e+38 : f32
    %broadcast_in_dim3A_118 = vector.broadcast %jit3A_117 : f32 to vector<1024x1024xf32>
    %select_n3A_119 = arith.select %eq3A_109, %broadcast_in_dim3A_118, %select_n3A_104 : vector<1024x1024xi1>, vector<1024x1024xf32>
    %reduce_min3A_120 = arith.constant dense<0x7F800000> : vector<1024xf32>
    %reduce_min3A_121 = vector.multi_reduction <minimumf>, %select_n3A_119, %reduce_min3A_120 [1] : vector<1024x1024xf32> to vector<1024xf32>
    %broadcast_in_dim3A_122 = vector.shape_cast %reduce_min3A_121 : vector<1024xf32> to vector<1024x1xf32>
    %eq3A_123 = vector.broadcast %broadcast_in_dim3A_122 : vector<1024x1xf32> to vector<1024x1024xf32>
    %eq3A_124 = arith.cmpf oeq, %select_n3A_119, %eq3A_123 : vector<1024x1024xf32>
    %jit3A_125 = arith.constant 1073741824 : i32
    %broadcast_in_dim3A_126 = vector.broadcast %jit3A_125 : i32 to vector<1024x1024xi32>
    %select_n3A_127 = arith.select %eq3A_124, %iota3A, %broadcast_in_dim3A_126 : vector<1024x1024xi1>, vector<1024x1024xi32>
    %reduce_min3A_128 = arith.constant dense<2147483647> : vector<1024xi32>
    %reduce_min3A_129 = vector.multi_reduction <minsi>, %select_n3A_127, %reduce_min3A_128 [1] : vector<1024x1024xi32> to vector<1024xi32>
    %add3A_130 = vector.broadcast %mul3A_30 : i32 to vector<1024xi32>
    %add3A_131 = arith.addi %reduce_min3A_129, %add3A_130 : vector<1024xi32>
    %jit3A_132 = arith.constant 3.000000e+38 : f32
    %broadcast_in_dim3A_133 = vector.broadcast %jit3A_132 : f32 to vector<1024x1024xf32>
    %select_n3A_134 = arith.select %eq3A_124, %broadcast_in_dim3A_133, %select_n3A_119 : vector<1024x1024xi1>, vector<1024x1024xf32>
    %reduce_min3A_135 = arith.constant dense<0x7F800000> : vector<1024xf32>
    %reduce_min3A_136 = vector.multi_reduction <minimumf>, %select_n3A_134, %reduce_min3A_135 [1] : vector<1024x1024xf32> to vector<1024xf32>
    %broadcast_in_dim3A_137 = vector.shape_cast %reduce_min3A_136 : vector<1024xf32> to vector<1024x1xf32>
    %eq3A_138 = vector.broadcast %broadcast_in_dim3A_137 : vector<1024x1xf32> to vector<1024x1024xf32>
    %eq3A_139 = arith.cmpf oeq, %select_n3A_134, %eq3A_138 : vector<1024x1024xf32>
    %jit3A_140 = arith.constant 1073741824 : i32
    %broadcast_in_dim3A_141 = vector.broadcast %jit3A_140 : i32 to vector<1024x1024xi32>
    %select_n3A_142 = arith.select %eq3A_139, %iota3A, %broadcast_in_dim3A_141 : vector<1024x1024xi1>, vector<1024x1024xi32>
    %reduce_min3A_143 = arith.constant dense<2147483647> : vector<1024xi32>
    %reduce_min3A_144 = vector.multi_reduction <minsi>, %select_n3A_142, %reduce_min3A_143 [1] : vector<1024x1024xi32> to vector<1024xi32>
    %add3A_145 = vector.broadcast %mul3A_30 : i32 to vector<1024xi32>
    %add3A_146 = arith.addi %reduce_min3A_144, %add3A_145 : vector<1024xi32>
    %stack3A = vector.shape_cast %add3A_41 : vector<1024xi32> to vector<1x1024xi32>
    %stack3A_147 = vector.shape_cast %add3A_56 : vector<1024xi32> to vector<1x1024xi32>
    %stack3A_148 = vector.shape_cast %add3A_71 : vector<1024xi32> to vector<1x1024xi32>
    %stack3A_149 = vector.shape_cast %add3A_86 : vector<1024xi32> to vector<1x1024xi32>
    %stack3A_150 = vector.shape_cast %add3A_101 : vector<1024xi32> to vector<1x1024xi32>
    %stack3A_151 = vector.shape_cast %add3A_116 : vector<1024xi32> to vector<1x1024xi32>
    %stack3A_152 = vector.shape_cast %add3A_131 : vector<1024xi32> to vector<1x1024xi32>
    %stack3A_153 = vector.shape_cast %add3A_146 : vector<1024xi32> to vector<1x1024xi32>
    %stack3A_154 = tpu.concatenate %stack3A, %stack3A_147, %stack3A_148, %stack3A_149, %stack3A_150, %stack3A_151, %stack3A_152, %stack3A_153 in 0 : vector<1x1024xi32>, vector<1x1024xi32>, vector<1x1024xi32>, vector<1x1024xi32>, vector<1x1024xi32>, vector<1x1024xi32>, vector<1x1024xi32>, vector<1x1024xi32> -> vector<8x1024xi32>
    %swap3A = arith.constant 0 : index
    %swap3A_155 = arith.constant 0 : index
    %swap3A_156 = arith.constant 0 : index
    %swap3A_157 = vector.load %arg4[%swap3A, %swap3A_155, %swap3A_156] : memref<1x8x1024xi32, #tpu.memory_space<vmem>>, vector<1x8x1024xi32>
    %swap3A_158 = vector.shape_cast %swap3A_157 : vector<1x8x1024xi32> to vector<8x1024xi32>
    %swap3A_159 = vector.shape_cast %stack3A_154 : vector<8x1024xi32> to vector<1x8x1024xi32>
    tpu.vector_store %arg4[%swap3A, %swap3A_155, %swap3A_156], %swap3A_159 {strides = array<i32>} : memref<1x8x1024xi32, #tpu.memory_space<vmem>>, vector<1x8x1024xi32>,
    return
  }
  func.func @transform_0(%arg0: i32, %arg1: i32) -> (i32, i32, i32) {
    %add3A = arith.constant 0 : i32
    %add3A_0 = arith.addi %arg0, %add3A : i32
    %c0_i32 = arith.constant 0 : i32
    %c0_i32_1 = arith.constant 0 : i32
    %c0_i32_2 = arith.constant 0 : i32
    return %add3A_0, %c0_i32, %c0_i32_1 : i32, i32, i32
  }
  func.func @transform_1(%arg0: i32, %arg1: i32) -> (i32, i32, i32) {
    %add3A = arith.constant 0 : i32
    %add3A_0 = arith.addi %arg0, %add3A : i32
    %c0_i32 = arith.constant 0 : i32
    %c0_i32_1 = arith.constant 0 : i32
    return %add3A_0, %arg1, %c0_i32 : i32, i32, i32
  }
  func.func @transform_2(%arg0: i32, %arg1: i32) -> (i32, i32, i32) {
    %c0_i32 = arith.constant 0 : i32
    %c0_i32_0 = arith.constant 0 : i32
    return %arg0, %c0_i32, %arg1 : i32, i32, i32
  }
}

module attributes {stable_mosaic.version = 14 : i64} {
  func.func @_k3(%arg0: i32, %arg1: i32, %arg2: memref<1x1024x192xf32, #tpu.memory_space<vmem>>, %arg3: memref<1x1024x192xf32, #tpu.memory_space<vmem>>, %arg4: memref<1x8x1024xi32, #tpu.memory_space<vmem>>) attributes {dimension_semantics = [#tpu.dimension_semantics<arbitrary>, #tpu.dimension_semantics<arbitrary>], iteration_bounds = array<i64: 4, 1>, scalar_prefetch = 0 : i64, scratch_operands = 0 : i64, tpu.core_type = #tpu.core_type<tc>, window_params = [{transform_indices = @transform_0, window_bounds = array<i64: 1, 1024, 192>}, {transform_indices = @transform_1, window_bounds = array<i64: 1, 1024, 192>}, {transform_indices = @transform_2, window_bounds = array<i64: 1, 8, 1024>}]} {
    %add3A = arith.constant 4 : i32
    %add3A_0 = arith.addi %arg0, %add3A : i32
    %get3A = arith.constant 0 : index
    %get3A_1 = arith.constant 0 : index
    %get3A_2 = arith.constant 0 : index
    %get3A_3 = vector.load %arg2[%get3A, %get3A_1, %get3A_2] : memref<1x1024x192xf32, #tpu.memory_space<vmem>>, vector<1x1024x192xf32>
    %get3A_4 = vector.shape_cast %get3A_3 : vector<1x1024x192xf32> to vector<1024x192xf32>
    %get3A_5 = arith.constant 0 : index
    %get3A_6 = arith.constant 0 : index
    %get3A_7 = arith.constant 0 : index
    %get3A_8 = vector.load %arg3[%get3A_5, %get3A_6, %get3A_7] : memref<1x1024x192xf32, #tpu.memory_space<vmem>>, vector<1x1024x192xf32>
    %get3A_9 = vector.shape_cast %get3A_8 : vector<1x1024x192xf32> to vector<1024x192xf32>
    %dot_general3A = arith.constant dense<0.000000e+00> : vector<1024x1024xf32>
    %dot_general3A_10 = tpu.matmul %get3A_9, %get3A_4, %dot_general3A {dimension_numbers = #tpu.dot_dimension_numbers<[1], [1], [0], [0], [0, 0, 1, 0], [], []>, transpose_lhs_hint = false} : vector<1024x192xf32>, vector<1024x192xf32>, vector<1024x1024xf32> -> vector<1024x1024xf32>
    %mul3A = arith.mulf %get3A_9, %get3A_9 : vector<1024x192xf32>
    %reduce_sum3A = arith.constant dense<0.000000e+00> : vector<1024xf32>
    %reduce_sum3A_11 = vector.multi_reduction <add>, %mul3A, %reduce_sum3A [1] : vector<1024x192xf32> to vector<1024xf32>
    %broadcast_in_dim3A = vector.shape_cast %reduce_sum3A_11 : vector<1024xf32> to vector<1024x1xf32>
    %mul3A_12 = arith.mulf %get3A_4, %get3A_4 : vector<1024x192xf32>
    %reduce_sum3A_13 = arith.constant dense<0.000000e+00> : vector<1024xf32>
    %reduce_sum3A_14 = vector.multi_reduction <add>, %mul3A_12, %reduce_sum3A_13 [1] : vector<1024x192xf32> to vector<1024xf32>
    %reshape3A = vector.shape_cast %reduce_sum3A_14 : vector<1024xf32> to vector<1x1024xf32>
    %add3A_15 = vector.broadcast %broadcast_in_dim3A : vector<1024x1xf32> to vector<1024x1024xf32>
    %add3A_16 = vector.broadcast %reshape3A : vector<1x1024xf32> to vector<1024x1024xf32>
    %add3A_17 = arith.addf %add3A_15, %add3A_16 : vector<1024x1024xf32>
    %mul3A_18 = arith.constant 2.000000e+00 : f32
    %mul3A_19 = vector.broadcast %mul3A_18 : f32 to vector<1024x1024xf32>
    %mul3A_20 = arith.mulf %mul3A_19, %dot_general3A_10 : vector<1024x1024xf32>
    %sub3A = arith.subf %add3A_17, %mul3A_20 : vector<1024x1024xf32>
    %max3A = arith.constant 0.000000e+00 : f32
    %max3A_21 = vector.broadcast %max3A : f32 to vector<1024x1024xf32>
    %max3A_22 = arith.maximumf %sub3A, %max3A_21 : vector<1024x1024xf32>
    %iota3A = tpu.iota {dimensions = array<i32: 1>} : vector<1024x1024xi32>
    %iota3A_23 = tpu.iota {dimensions = array<i32: 0>} : vector<1024x1024xi32>
    %mul3A_24 = arith.constant 1024 : i32
    %mul3A_25 = arith.muli %arg1, %mul3A_24 : i32
    %add3A_26 = vector.broadcast %mul3A_25 : i32 to vector<1024x1024xi32>
    %add3A_27 = arith.addi %iota3A_23, %add3A_26 : vector<1024x1024xi32>
    %eq3A = arith.cmpi eq, %iota3A, %add3A_27 : vector<1024x1024xi32>
    %jit3A = arith.constant 3.000000e+38 : f32
    %broadcast_in_dim3A_28 = vector.broadcast %jit3A : f32 to vector<1024x1024xf32>
    %select_n3A = arith.select %eq3A, %broadcast_in_dim3A_28, %max3A_22 : vector<1024x1024xi1>, vector<1024x1024xf32>
    %mul3A_29 = arith.constant 1024 : i32
    %mul3A_30 = arith.muli %add3A_0, %mul3A_29 : i32
    %reduce_min3A = arith.constant dense<0x7F800000> : vector<1024xf32>
    %reduce_min3A_31 = vector.multi_reduction <minimumf>, %select_n3A, %reduce_min3A [1] : vector<1024x1024xf32> to vector<1024xf32>
    %broadcast_in_dim3A_32 = vector.shape_cast %reduce_min3A_31 : vector<1024xf32> to vector<1024x1xf32>
    %eq3A_33 = vector.broadcast %broadcast_in_dim3A_32 : vector<1024x1xf32> to vector<1024x1024xf32>
    %eq3A_34 = arith.cmpf oeq, %select_n3A, %eq3A_33 : vector<1024x1024xf32>
    %jit3A_35 = arith.constant 1073741824 : i32
    %broadcast_in_dim3A_36 = vector.broadcast %jit3A_35 : i32 to vector<1024x1024xi32>
    %select_n3A_37 = arith.select %eq3A_34, %iota3A, %broadcast_in_dim3A_36 : vector<1024x1024xi1>, vector<1024x1024xi32>
    %reduce_min3A_38 = arith.constant dense<2147483647> : vector<1024xi32>
    %reduce_min3A_39 = vector.multi_reduction <minsi>, %select_n3A_37, %reduce_min3A_38 [1] : vector<1024x1024xi32> to vector<1024xi32>
    %add3A_40 = vector.broadcast %mul3A_30 : i32 to vector<1024xi32>
    %add3A_41 = arith.addi %reduce_min3A_39, %add3A_40 : vector<1024xi32>
    %jit3A_42 = arith.constant 3.000000e+38 : f32
    %broadcast_in_dim3A_43 = vector.broadcast %jit3A_42 : f32 to vector<1024x1024xf32>
    %select_n3A_44 = arith.select %eq3A_34, %broadcast_in_dim3A_43, %select_n3A : vector<1024x1024xi1>, vector<1024x1024xf32>
    %reduce_min3A_45 = arith.constant dense<0x7F800000> : vector<1024xf32>
    %reduce_min3A_46 = vector.multi_reduction <minimumf>, %select_n3A_44, %reduce_min3A_45 [1] : vector<1024x1024xf32> to vector<1024xf32>
    %broadcast_in_dim3A_47 = vector.shape_cast %reduce_min3A_46 : vector<1024xf32> to vector<1024x1xf32>
    %eq3A_48 = vector.broadcast %broadcast_in_dim3A_47 : vector<1024x1xf32> to vector<1024x1024xf32>
    %eq3A_49 = arith.cmpf oeq, %select_n3A_44, %eq3A_48 : vector<1024x1024xf32>
    %jit3A_50 = arith.constant 1073741824 : i32
    %broadcast_in_dim3A_51 = vector.broadcast %jit3A_50 : i32 to vector<1024x1024xi32>
    %select_n3A_52 = arith.select %eq3A_49, %iota3A, %broadcast_in_dim3A_51 : vector<1024x1024xi1>, vector<1024x1024xi32>
    %reduce_min3A_53 = arith.constant dense<2147483647> : vector<1024xi32>
    %reduce_min3A_54 = vector.multi_reduction <minsi>, %select_n3A_52, %reduce_min3A_53 [1] : vector<1024x1024xi32> to vector<1024xi32>
    %add3A_55 = vector.broadcast %mul3A_30 : i32 to vector<1024xi32>
    %add3A_56 = arith.addi %reduce_min3A_54, %add3A_55 : vector<1024xi32>
    %jit3A_57 = arith.constant 3.000000e+38 : f32
    %broadcast_in_dim3A_58 = vector.broadcast %jit3A_57 : f32 to vector<1024x1024xf32>
    %select_n3A_59 = arith.select %eq3A_49, %broadcast_in_dim3A_58, %select_n3A_44 : vector<1024x1024xi1>, vector<1024x1024xf32>
    %reduce_min3A_60 = arith.constant dense<0x7F800000> : vector<1024xf32>
    %reduce_min3A_61 = vector.multi_reduction <minimumf>, %select_n3A_59, %reduce_min3A_60 [1] : vector<1024x1024xf32> to vector<1024xf32>
    %broadcast_in_dim3A_62 = vector.shape_cast %reduce_min3A_61 : vector<1024xf32> to vector<1024x1xf32>
    %eq3A_63 = vector.broadcast %broadcast_in_dim3A_62 : vector<1024x1xf32> to vector<1024x1024xf32>
    %eq3A_64 = arith.cmpf oeq, %select_n3A_59, %eq3A_63 : vector<1024x1024xf32>
    %jit3A_65 = arith.constant 1073741824 : i32
    %broadcast_in_dim3A_66 = vector.broadcast %jit3A_65 : i32 to vector<1024x1024xi32>
    %select_n3A_67 = arith.select %eq3A_64, %iota3A, %broadcast_in_dim3A_66 : vector<1024x1024xi1>, vector<1024x1024xi32>
    %reduce_min3A_68 = arith.constant dense<2147483647> : vector<1024xi32>
    %reduce_min3A_69 = vector.multi_reduction <minsi>, %select_n3A_67, %reduce_min3A_68 [1] : vector<1024x1024xi32> to vector<1024xi32>
    %add3A_70 = vector.broadcast %mul3A_30 : i32 to vector<1024xi32>
    %add3A_71 = arith.addi %reduce_min3A_69, %add3A_70 : vector<1024xi32>
    %jit3A_72 = arith.constant 3.000000e+38 : f32
    %broadcast_in_dim3A_73 = vector.broadcast %jit3A_72 : f32 to vector<1024x1024xf32>
    %select_n3A_74 = arith.select %eq3A_64, %broadcast_in_dim3A_73, %select_n3A_59 : vector<1024x1024xi1>, vector<1024x1024xf32>
    %reduce_min3A_75 = arith.constant dense<0x7F800000> : vector<1024xf32>
    %reduce_min3A_76 = vector.multi_reduction <minimumf>, %select_n3A_74, %reduce_min3A_75 [1] : vector<1024x1024xf32> to vector<1024xf32>
    %broadcast_in_dim3A_77 = vector.shape_cast %reduce_min3A_76 : vector<1024xf32> to vector<1024x1xf32>
    %eq3A_78 = vector.broadcast %broadcast_in_dim3A_77 : vector<1024x1xf32> to vector<1024x1024xf32>
    %eq3A_79 = arith.cmpf oeq, %select_n3A_74, %eq3A_78 : vector<1024x1024xf32>
    %jit3A_80 = arith.constant 1073741824 : i32
    %broadcast_in_dim3A_81 = vector.broadcast %jit3A_80 : i32 to vector<1024x1024xi32>
    %select_n3A_82 = arith.select %eq3A_79, %iota3A, %broadcast_in_dim3A_81 : vector<1024x1024xi1>, vector<1024x1024xi32>
    %reduce_min3A_83 = arith.constant dense<2147483647> : vector<1024xi32>
    %reduce_min3A_84 = vector.multi_reduction <minsi>, %select_n3A_82, %reduce_min3A_83 [1] : vector<1024x1024xi32> to vector<1024xi32>
    %add3A_85 = vector.broadcast %mul3A_30 : i32 to vector<1024xi32>
    %add3A_86 = arith.addi %reduce_min3A_84, %add3A_85 : vector<1024xi32>
    %jit3A_87 = arith.constant 3.000000e+38 : f32
    %broadcast_in_dim3A_88 = vector.broadcast %jit3A_87 : f32 to vector<1024x1024xf32>
    %select_n3A_89 = arith.select %eq3A_79, %broadcast_in_dim3A_88, %select_n3A_74 : vector<1024x1024xi1>, vector<1024x1024xf32>
    %reduce_min3A_90 = arith.constant dense<0x7F800000> : vector<1024xf32>
    %reduce_min3A_91 = vector.multi_reduction <minimumf>, %select_n3A_89, %reduce_min3A_90 [1] : vector<1024x1024xf32> to vector<1024xf32>
    %broadcast_in_dim3A_92 = vector.shape_cast %reduce_min3A_91 : vector<1024xf32> to vector<1024x1xf32>
    %eq3A_93 = vector.broadcast %broadcast_in_dim3A_92 : vector<1024x1xf32> to vector<1024x1024xf32>
    %eq3A_94 = arith.cmpf oeq, %select_n3A_89, %eq3A_93 : vector<1024x1024xf32>
    %jit3A_95 = arith.constant 1073741824 : i32
    %broadcast_in_dim3A_96 = vector.broadcast %jit3A_95 : i32 to vector<1024x1024xi32>
    %select_n3A_97 = arith.select %eq3A_94, %iota3A, %broadcast_in_dim3A_96 : vector<1024x1024xi1>, vector<1024x1024xi32>
    %reduce_min3A_98 = arith.constant dense<2147483647> : vector<1024xi32>
    %reduce_min3A_99 = vector.multi_reduction <minsi>, %select_n3A_97, %reduce_min3A_98 [1] : vector<1024x1024xi32> to vector<1024xi32>
    %add3A_100 = vector.broadcast %mul3A_30 : i32 to vector<1024xi32>
    %add3A_101 = arith.addi %reduce_min3A_99, %add3A_100 : vector<1024xi32>
    %jit3A_102 = arith.constant 3.000000e+38 : f32
    %broadcast_in_dim3A_103 = vector.broadcast %jit3A_102 : f32 to vector<1024x1024xf32>
    %select_n3A_104 = arith.select %eq3A_94, %broadcast_in_dim3A_103, %select_n3A_89 : vector<1024x1024xi1>, vector<1024x1024xf32>
    %reduce_min3A_105 = arith.constant dense<0x7F800000> : vector<1024xf32>
    %reduce_min3A_106 = vector.multi_reduction <minimumf>, %select_n3A_104, %reduce_min3A_105 [1] : vector<1024x1024xf32> to vector<1024xf32>
    %broadcast_in_dim3A_107 = vector.shape_cast %reduce_min3A_106 : vector<1024xf32> to vector<1024x1xf32>
    %eq3A_108 = vector.broadcast %broadcast_in_dim3A_107 : vector<1024x1xf32> to vector<1024x1024xf32>
    %eq3A_109 = arith.cmpf oeq, %select_n3A_104, %eq3A_108 : vector<1024x1024xf32>
    %jit3A_110 = arith.constant 1073741824 : i32
    %broadcast_in_dim3A_111 = vector.broadcast %jit3A_110 : i32 to vector<1024x1024xi32>
    %select_n3A_112 = arith.select %eq3A_109, %iota3A, %broadcast_in_dim3A_111 : vector<1024x1024xi1>, vector<1024x1024xi32>
    %reduce_min3A_113 = arith.constant dense<2147483647> : vector<1024xi32>
    %reduce_min3A_114 = vector.multi_reduction <minsi>, %select_n3A_112, %reduce_min3A_113 [1] : vector<1024x1024xi32> to vector<1024xi32>
    %add3A_115 = vector.broadcast %mul3A_30 : i32 to vector<1024xi32>
    %add3A_116 = arith.addi %reduce_min3A_114, %add3A_115 : vector<1024xi32>
    %jit3A_117 = arith.constant 3.000000e+38 : f32
    %broadcast_in_dim3A_118 = vector.broadcast %jit3A_117 : f32 to vector<1024x1024xf32>
    %select_n3A_119 = arith.select %eq3A_109, %broadcast_in_dim3A_118, %select_n3A_104 : vector<1024x1024xi1>, vector<1024x1024xf32>
    %reduce_min3A_120 = arith.constant dense<0x7F800000> : vector<1024xf32>
    %reduce_min3A_121 = vector.multi_reduction <minimumf>, %select_n3A_119, %reduce_min3A_120 [1] : vector<1024x1024xf32> to vector<1024xf32>
    %broadcast_in_dim3A_122 = vector.shape_cast %reduce_min3A_121 : vector<1024xf32> to vector<1024x1xf32>
    %eq3A_123 = vector.broadcast %broadcast_in_dim3A_122 : vector<1024x1xf32> to vector<1024x1024xf32>
    %eq3A_124 = arith.cmpf oeq, %select_n3A_119, %eq3A_123 : vector<1024x1024xf32>
    %jit3A_125 = arith.constant 1073741824 : i32
    %broadcast_in_dim3A_126 = vector.broadcast %jit3A_125 : i32 to vector<1024x1024xi32>
    %select_n3A_127 = arith.select %eq3A_124, %iota3A, %broadcast_in_dim3A_126 : vector<1024x1024xi1>, vector<1024x1024xi32>
    %reduce_min3A_128 = arith.constant dense<2147483647> : vector<1024xi32>
    %reduce_min3A_129 = vector.multi_reduction <minsi>, %select_n3A_127, %reduce_min3A_128 [1] : vector<1024x1024xi32> to vector<1024xi32>
    %add3A_130 = vector.broadcast %mul3A_30 : i32 to vector<1024xi32>
    %add3A_131 = arith.addi %reduce_min3A_129, %add3A_130 : vector<1024xi32>
    %jit3A_132 = arith.constant 3.000000e+38 : f32
    %broadcast_in_dim3A_133 = vector.broadcast %jit3A_132 : f32 to vector<1024x1024xf32>
    %select_n3A_134 = arith.select %eq3A_124, %broadcast_in_dim3A_133, %select_n3A_119 : vector<1024x1024xi1>, vector<1024x1024xf32>
    %reduce_min3A_135 = arith.constant dense<0x7F800000> : vector<1024xf32>
    %reduce_min3A_136 = vector.multi_reduction <minimumf>, %select_n3A_134, %reduce_min3A_135 [1] : vector<1024x1024xf32> to vector<1024xf32>
    %broadcast_in_dim3A_137 = vector.shape_cast %reduce_min3A_136 : vector<1024xf32> to vector<1024x1xf32>
    %eq3A_138 = vector.broadcast %broadcast_in_dim3A_137 : vector<1024x1xf32> to vector<1024x1024xf32>
    %eq3A_139 = arith.cmpf oeq, %select_n3A_134, %eq3A_138 : vector<1024x1024xf32>
    %jit3A_140 = arith.constant 1073741824 : i32
    %broadcast_in_dim3A_141 = vector.broadcast %jit3A_140 : i32 to vector<1024x1024xi32>
    %select_n3A_142 = arith.select %eq3A_139, %iota3A, %broadcast_in_dim3A_141 : vector<1024x1024xi1>, vector<1024x1024xi32>
    %reduce_min3A_143 = arith.constant dense<2147483647> : vector<1024xi32>
    %reduce_min3A_144 = vector.multi_reduction <minsi>, %select_n3A_142, %reduce_min3A_143 [1] : vector<1024x1024xi32> to vector<1024xi32>
    %add3A_145 = vector.broadcast %mul3A_30 : i32 to vector<1024xi32>
    %add3A_146 = arith.addi %reduce_min3A_144, %add3A_145 : vector<1024xi32>
    %stack3A = vector.shape_cast %add3A_41 : vector<1024xi32> to vector<1x1024xi32>
    %stack3A_147 = vector.shape_cast %add3A_56 : vector<1024xi32> to vector<1x1024xi32>
    %stack3A_148 = vector.shape_cast %add3A_71 : vector<1024xi32> to vector<1x1024xi32>
    %stack3A_149 = vector.shape_cast %add3A_86 : vector<1024xi32> to vector<1x1024xi32>
    %stack3A_150 = vector.shape_cast %add3A_101 : vector<1024xi32> to vector<1x1024xi32>
    %stack3A_151 = vector.shape_cast %add3A_116 : vector<1024xi32> to vector<1x1024xi32>
    %stack3A_152 = vector.shape_cast %add3A_131 : vector<1024xi32> to vector<1x1024xi32>
    %stack3A_153 = vector.shape_cast %add3A_146 : vector<1024xi32> to vector<1x1024xi32>
    %stack3A_154 = tpu.concatenate %stack3A, %stack3A_147, %stack3A_148, %stack3A_149, %stack3A_150, %stack3A_151, %stack3A_152, %stack3A_153 in 0 : vector<1x1024xi32>, vector<1x1024xi32>, vector<1x1024xi32>, vector<1x1024xi32>, vector<1x1024xi32>, vector<1x1024xi32>, vector<1x1024xi32>, vector<1x1024xi32> -> vector<8x1024xi32>
    %swap3A = arith.constant 0 : index
    %swap3A_155 = arith.constant 0 : index
    %swap3A_156 = arith.constant 0 : index
    %swap3A_157 = vector.load %arg4[%swap3A, %swap3A_155, %swap3A_156] : memref<1x8x1024xi32, #tpu.memory_space<vmem>>, vector<1x8x1024xi32>
    %swap3A_158 = vector.shape_cast %swap3A_157 : vector<1x8x1024xi32> to vector<8x1024xi32>
    %swap3A_159 = vector.shape_cast %stack3A_154 : vector<8x1024xi32> to vector<1x8x1024xi32>
    tpu.vector_store %arg4[%swap3A, %swap3A_155, %swap3A_156], %swap3A_159 {strides = array<i32>} : memref<1x8x1024xi32, #tpu.memory_space<vmem>>, vector<1x8x1024xi32>,
    return
  }
  func.func @transform_0(%arg0: i32, %arg1: i32) -> (i32, i32, i32) {
    %add3A = arith.constant 4 : i32
    %add3A_0 = arith.addi %arg0, %add3A : i32
    %c0_i32 = arith.constant 0 : i32
    %c0_i32_1 = arith.constant 0 : i32
    %c0_i32_2 = arith.constant 0 : i32
    return %add3A_0, %c0_i32, %c0_i32_1 : i32, i32, i32
  }
  func.func @transform_1(%arg0: i32, %arg1: i32) -> (i32, i32, i32) {
    %add3A = arith.constant 4 : i32
    %add3A_0 = arith.addi %arg0, %add3A : i32
    %c0_i32 = arith.constant 0 : i32
    %c0_i32_1 = arith.constant 0 : i32
    return %add3A_0, %arg1, %c0_i32 : i32, i32, i32
  }
  func.func @transform_2(%arg0: i32, %arg1: i32) -> (i32, i32, i32) {
    %c0_i32 = arith.constant 0 : i32
    %c0_i32_0 = arith.constant 0 : i32
    return %arg0, %c0_i32, %arg1 : i32, i32, i32
  }
}

module attributes {stable_mosaic.version = 14 : i64} {
  func.func @_k5(%arg0: i32, %arg1: i32, %arg2: memref<1x8x1024x128xi32, #tpu.memory_space<vmem>>, %arg3: memref<1x1024x128xi32, #tpu.memory_space<vmem>>, %arg4: memref<1x1024x256xf32, #tpu.memory_space<vmem>>, %arg5: memref<192x192xf32, #tpu.memory_space<vmem>>, %arg6: memref<192x192xf32, #tpu.memory_space<vmem>>, %arg7: memref<1x192xf32, #tpu.memory_space<vmem>>, %arg8: memref<1x1024x192xf32, #tpu.memory_space<vmem>>, %arg9: memref<8x192xf32, #tpu.memory_space<vmem>>) attributes {dimension_semantics = [#tpu.dimension_semantics<arbitrary>, #tpu.dimension_semantics<arbitrary>], iteration_bounds = array<i64: 4, 1>, scalar_prefetch = 0 : i64, scratch_operands = 0 : i64, tpu.core_type = #tpu.core_type<tc>, window_params = [{transform_indices = @transform_0, window_bounds = array<i64: 1, 8, 1024, 128>}, {transform_indices = @transform_1, window_bounds = array<i64: 1, 1024, 128>}, {transform_indices = @transform_2, window_bounds = array<i64: 1, 1024, 256>}, {pipeline_mode = #tpu.pipeline_mode<synchronous>, transform_indices = @transform_3, window_bounds = array<i64: 192, 192>}, {pipeline_mode = #tpu.pipeline_mode<synchronous>, transform_indices = @transform_4, window_bounds = array<i64: 192, 192>}, {pipeline_mode = #tpu.pipeline_mode<synchronous>, transform_indices = @transform_5, window_bounds = array<i64: 1, 192>}, {transform_indices = @transform_6, window_bounds = array<i64: 1, 1024, 192>}, {pipeline_mode = #tpu.pipeline_mode<synchronous>, transform_indices = @transform_7, window_bounds = array<i64: 8, 192>}]} {
    %get3A = arith.constant 0 : index
    %get3A_0 = arith.constant 0 : index
    %get3A_1 = arith.constant 0 : index
    %get3A_2 = vector.load %arg4[%get3A, %get3A_0, %get3A_1] : memref<1x1024x256xf32, #tpu.memory_space<vmem>>, vector<1x1024x256xf32>
    %get3A_3 = vector.shape_cast %get3A_2 : vector<1x1024x256xf32> to vector<1024x256xf32>
    %get3A_4 = arith.constant 0 : index
    %get3A_5 = arith.constant 0 : index
    %get3A_6 = vector.load %arg5[%get3A_4, %get3A_5] : memref<192x192xf32, #tpu.memory_space<vmem>>, vector<192x192xf32>
    %broadcast_in_dim3A = arith.constant 0.000000e+00 : f32
    %broadcast_in_dim3A_7 = vector.broadcast %broadcast_in_dim3A : f32 to vector<64x192xf32>
    %concatenate3A = tpu.concatenate %get3A_6, %broadcast_in_dim3A_7 in 0 : vector<192x192xf32>, vector<64x192xf32> -> vector<256x192xf32>
    %get3A_8 = arith.constant 0 : index
    %get3A_9 = arith.constant 0 : index
    %get3A_10 = arith.constant 0 : index
    %get3A_11 = vector.load %arg3[%get3A_8, %get3A_9, %get3A_10] : memref<1x1024x128xi32, #tpu.memory_space<vmem>>, vector<1x1024x128xi32>
    %get3A_12 = vector.shape_cast %get3A_11 : vector<1x1024x128xi32> to vector<1024x128xi32>
    %bitcast_convert_type3A = tpu.bitcast %get3A_12 : vector<1024x128xi32> -> vector<1024x128xi32>
    %shift_left3A = arith.constant 16 : i32
    %shift_left3A_13 = vector.broadcast %shift_left3A : i32 to vector<1024x128xi32>
    %shift_left3A_14 = arith.shli %bitcast_convert_type3A, %shift_left3A_13 : vector<1024x128xi32>
    %bitcast_convert_type3A_15 = tpu.bitcast %shift_left3A_14 : vector<1024x128xi32> -> vector<1024x128xf32>
    %and3A = arith.constant -65536 : i32
    %and3A_16 = vector.broadcast %and3A : i32 to vector<1024x128xi32>
    %and3A_17 = arith.andi %bitcast_convert_type3A, %and3A_16 : vector<1024x128xi32>
    %bitcast_convert_type3A_18 = tpu.bitcast %and3A_17 : vector<1024x128xi32> -> vector<1024x128xf32>
    %concatenate3A_19 = tpu.concatenate %bitcast_convert_type3A_15, %bitcast_convert_type3A_18 in 1 : vector<1024x128xf32>, vector<1024x128xf32> -> vector<1024x256xf32>
    %add3A = arith.addf %concatenate3A_19, %get3A_3 : vector<1024x256xf32>
    %ge3A = arith.constant 0.000000e+00 : f32
    %ge3A_20 = vector.broadcast %ge3A : f32 to vector<1024x256xf32>
    %ge3A_21 = arith.cmpf oge, %add3A, %ge3A_20 : vector<1024x256xf32>
    %mul3A = arith.constant 2.000000e-01 : f32
    %mul3A_22 = vector.broadcast %mul3A : f32 to vector<1024x256xf32>
    %mul3A_23 = arith.mulf %mul3A_22, %add3A : vector<1024x256xf32>
    %select_n3A = arith.select %ge3A_21, %add3A, %mul3A_23 : vector<1024x256xi1>, vector<1024x256xf32>
    %dot_general3A = arith.constant dense<0.000000e+00> : vector<1024x192xf32>
    %dot_general3A_24 = tpu.matmul %select_n3A, %concatenate3A, %dot_general3A {dimension_numbers = #tpu.dot_dimension_numbers<[1], [0], [0], [1], [0, 0, 1, 1], [], []>, transpose_lhs_hint = false} : vector<1024x256xf32>, vector<256x192xf32>, vector<1024x192xf32> -> vector<1024x192xf32>
    %get3A_25 = arith.constant 0 : index
    %get3A_26 = arith.constant 0 : index
    %get3A_27 = arith.constant 0 : index
    %get3A_28 = arith.constant 0 : index
    %get3A_29 = vector.load %arg2[%get3A_25, %get3A_26, %get3A_27, %get3A_28] : memref<1x8x1024x128xi32, #tpu.memory_space<vmem>>, vector<1x1x1024x128xi32>
    %get3A_30 = vector.shape_cast %get3A_29 : vector<1x1x1024x128xi32> to vector<1024x128xi32>
    %bitcast_convert_type3A_31 = tpu.bitcast %get3A_30 : vector<1024x128xi32> -> vector<1024x128xi32>
    %shift_left3A_32 = arith.constant 16 : i32
    %shift_left3A_33 = vector.broadcast %shift_left3A_32 : i32 to vector<1024x128xi32>
    %shift_left3A_34 = arith.shli %bitcast_convert_type3A_31, %shift_left3A_33 : vector<1024x128xi32>
    %bitcast_convert_type3A_35 = tpu.bitcast %shift_left3A_34 : vector<1024x128xi32> -> vector<1024x128xf32>
    %and3A_36 = arith.constant -65536 : i32
    %and3A_37 = vector.broadcast %and3A_36 : i32 to vector<1024x128xi32>
    %and3A_38 = arith.andi %bitcast_convert_type3A_31, %and3A_37 : vector<1024x128xi32>
    %bitcast_convert_type3A_39 = tpu.bitcast %and3A_38 : vector<1024x128xi32> -> vector<1024x128xf32>
    %concatenate3A_40 = tpu.concatenate %bitcast_convert_type3A_35, %bitcast_convert_type3A_39 in 1 : vector<1024x128xf32>, vector<1024x128xf32> -> vector<1024x256xf32>
    %add3A_41 = arith.addf %concatenate3A_40, %get3A_3 : vector<1024x256xf32>
    %ge3A_42 = arith.constant 0.000000e+00 : f32
    %ge3A_43 = vector.broadcast %ge3A_42 : f32 to vector<1024x256xf32>
    %ge3A_44 = arith.cmpf oge, %add3A_41, %ge3A_43 : vector<1024x256xf32>
    %mul3A_45 = arith.constant 2.000000e-01 : f32
    %mul3A_46 = vector.broadcast %mul3A_45 : f32 to vector<1024x256xf32>
    %mul3A_47 = arith.mulf %mul3A_46, %add3A_41 : vector<1024x256xf32>
    %select_n3A_48 = arith.select %ge3A_44, %add3A_41, %mul3A_47 : vector<1024x256xi1>, vector<1024x256xf32>
    %dot_general3A_49 = arith.constant dense<0.000000e+00> : vector<1024x192xf32>
    %dot_general3A_50 = tpu.matmul %select_n3A_48, %concatenate3A, %dot_general3A_49 {dimension_numbers = #tpu.dot_dimension_numbers<[1], [0], [0], [1], [0, 0, 1, 1], [], []>, transpose_lhs_hint = false} : vector<1024x256xf32>, vector<256x192xf32>, vector<1024x192xf32> -> vector<1024x192xf32>
    %max3A = arith.maximumf %dot_general3A_24, %dot_general3A_50 : vector<1024x192xf32>
    %get3A_51 = arith.constant 0 : index
    %get3A_52 = arith.constant 1 : index
    %get3A_53 = arith.constant 0 : index
    %get3A_54 = arith.constant 0 : index
    %get3A_55 = vector.load %arg2[%get3A_51, %get3A_52, %get3A_53, %get3A_54] : memref<1x8x1024x128xi32, #tpu.memory_space<vmem>>, vector<1x1x1024x128xi32>
    %get3A_56 = vector.shape_cast %get3A_55 : vector<1x1x1024x128xi32> to vector<1024x128xi32>
    %bitcast_convert_type3A_57 = tpu.bitcast %get3A_56 : vector<1024x128xi32> -> vector<1024x128xi32>
    %shift_left3A_58 = arith.constant 16 : i32
    %shift_left3A_59 = vector.broadcast %shift_left3A_58 : i32 to vector<1024x128xi32>
    %shift_left3A_60 = arith.shli %bitcast_convert_type3A_57, %shift_left3A_59 : vector<1024x128xi32>
    %bitcast_convert_type3A_61 = tpu.bitcast %shift_left3A_60 : vector<1024x128xi32> -> vector<1024x128xf32>
    %and3A_62 = arith.constant -65536 : i32
    %and3A_63 = vector.broadcast %and3A_62 : i32 to vector<1024x128xi32>
    %and3A_64 = arith.andi %bitcast_convert_type3A_57, %and3A_63 : vector<1024x128xi32>
    %bitcast_convert_type3A_65 = tpu.bitcast %and3A_64 : vector<1024x128xi32> -> vector<1024x128xf32>
    %concatenate3A_66 = tpu.concatenate %bitcast_convert_type3A_61, %bitcast_convert_type3A_65 in 1 : vector<1024x128xf32>, vector<1024x128xf32> -> vector<1024x256xf32>
    %add3A_67 = arith.addf %concatenate3A_66, %get3A_3 : vector<1024x256xf32>
    %ge3A_68 = arith.constant 0.000000e+00 : f32
    %ge3A_69 = vector.broadcast %ge3A_68 : f32 to vector<1024x256xf32>
    %ge3A_70 = arith.cmpf oge, %add3A_67, %ge3A_69 : vector<1024x256xf32>
    %mul3A_71 = arith.constant 2.000000e-01 : f32
    %mul3A_72 = vector.broadcast %mul3A_71 : f32 to vector<1024x256xf32>
    %mul3A_73 = arith.mulf %mul3A_72, %add3A_67 : vector<1024x256xf32>
    %select_n3A_74 = arith.select %ge3A_70, %add3A_67, %mul3A_73 : vector<1024x256xi1>, vector<1024x256xf32>
    %dot_general3A_75 = arith.constant dense<0.000000e+00> : vector<1024x192xf32>
    %dot_general3A_76 = tpu.matmul %select_n3A_74, %concatenate3A, %dot_general3A_75 {dimension_numbers = #tpu.dot_dimension_numbers<[1], [0], [0], [1], [0, 0, 1, 1], [], []>, transpose_lhs_hint = false} : vector<1024x256xf32>, vector<256x192xf32>, vector<1024x192xf32> -> vector<1024x192xf32>
    %max3A_77 = arith.maximumf %max3A, %dot_general3A_76 : vector<1024x192xf32>
    %get3A_78 = arith.constant 0 : index
    %get3A_79 = arith.constant 2 : index
    %get3A_80 = arith.constant 0 : index
    %get3A_81 = arith.constant 0 : index
    %get3A_82 = vector.load %arg2[%get3A_78, %get3A_79, %get3A_80, %get3A_81] : memref<1x8x1024x128xi32, #tpu.memory_space<vmem>>, vector<1x1x1024x128xi32>
    %get3A_83 = vector.shape_cast %get3A_82 : vector<1x1x1024x128xi32> to vector<1024x128xi32>
    %bitcast_convert_type3A_84 = tpu.bitcast %get3A_83 : vector<1024x128xi32> -> vector<1024x128xi32>
    %shift_left3A_85 = arith.constant 16 : i32
    %shift_left3A_86 = vector.broadcast %shift_left3A_85 : i32 to vector<1024x128xi32>
    %shift_left3A_87 = arith.shli %bitcast_convert_type3A_84, %shift_left3A_86 : vector<1024x128xi32>
    %bitcast_convert_type3A_88 = tpu.bitcast %shift_left3A_87 : vector<1024x128xi32> -> vector<1024x128xf32>
    %and3A_89 = arith.constant -65536 : i32
    %and3A_90 = vector.broadcast %and3A_89 : i32 to vector<1024x128xi32>
    %and3A_91 = arith.andi %bitcast_convert_type3A_84, %and3A_90 : vector<1024x128xi32>
    %bitcast_convert_type3A_92 = tpu.bitcast %and3A_91 : vector<1024x128xi32> -> vector<1024x128xf32>
    %concatenate3A_93 = tpu.concatenate %bitcast_convert_type3A_88, %bitcast_convert_type3A_92 in 1 : vector<1024x128xf32>, vector<1024x128xf32> -> vector<1024x256xf32>
    %add3A_94 = arith.addf %concatenate3A_93, %get3A_3 : vector<1024x256xf32>
    %ge3A_95 = arith.constant 0.000000e+00 : f32
    %ge3A_96 = vector.broadcast %ge3A_95 : f32 to vector<1024x256xf32>
    %ge3A_97 = arith.cmpf oge, %add3A_94, %ge3A_96 : vector<1024x256xf32>
    %mul3A_98 = arith.constant 2.000000e-01 : f32
    %mul3A_99 = vector.broadcast %mul3A_98 : f32 to vector<1024x256xf32>
    %mul3A_100 = arith.mulf %mul3A_99, %add3A_94 : vector<1024x256xf32>
    %select_n3A_101 = arith.select %ge3A_97, %add3A_94, %mul3A_100 : vector<1024x256xi1>, vector<1024x256xf32>
    %dot_general3A_102 = arith.constant dense<0.000000e+00> : vector<1024x192xf32>
    %dot_general3A_103 = tpu.matmul %select_n3A_101, %concatenate3A, %dot_general3A_102 {dimension_numbers = #tpu.dot_dimension_numbers<[1], [0], [0], [1], [0, 0, 1, 1], [], []>, transpose_lhs_hint = false} : vector<1024x256xf32>, vector<256x192xf32>, vector<1024x192xf32> -> vector<1024x192xf32>
    %max3A_104 = arith.maximumf %max3A_77, %dot_general3A_103 : vector<1024x192xf32>
    %get3A_105 = arith.constant 0 : index
    %get3A_106 = arith.constant 3 : index
    %get3A_107 = arith.constant 0 : index
    %get3A_108 = arith.constant 0 : index
    %get3A_109 = vector.load %arg2[%get3A_105, %get3A_106, %get3A_107, %get3A_108] : memref<1x8x1024x128xi32, #tpu.memory_space<vmem>>, vector<1x1x1024x128xi32>
    %get3A_110 = vector.shape_cast %get3A_109 : vector<1x1x1024x128xi32> to vector<1024x128xi32>
    %bitcast_convert_type3A_111 = tpu.bitcast %get3A_110 : vector<1024x128xi32> -> vector<1024x128xi32>
    %shift_left3A_112 = arith.constant 16 : i32
    %shift_left3A_113 = vector.broadcast %shift_left3A_112 : i32 to vector<1024x128xi32>
    %shift_left3A_114 = arith.shli %bitcast_convert_type3A_111, %shift_left3A_113 : vector<1024x128xi32>
    %bitcast_convert_type3A_115 = tpu.bitcast %shift_left3A_114 : vector<1024x128xi32> -> vector<1024x128xf32>
    %and3A_116 = arith.constant -65536 : i32
    %and3A_117 = vector.broadcast %and3A_116 : i32 to vector<1024x128xi32>
    %and3A_118 = arith.andi %bitcast_convert_type3A_111, %and3A_117 : vector<1024x128xi32>
    %bitcast_convert_type3A_119 = tpu.bitcast %and3A_118 : vector<1024x128xi32> -> vector<1024x128xf32>
    %concatenate3A_120 = tpu.concatenate %bitcast_convert_type3A_115, %bitcast_convert_type3A_119 in 1 : vector<1024x128xf32>, vector<1024x128xf32> -> vector<1024x256xf32>
    %add3A_121 = arith.addf %concatenate3A_120, %get3A_3 : vector<1024x256xf32>
    %ge3A_122 = arith.constant 0.000000e+00 : f32
    %ge3A_123 = vector.broadcast %ge3A_122 : f32 to vector<1024x256xf32>
    %ge3A_124 = arith.cmpf oge, %add3A_121, %ge3A_123 : vector<1024x256xf32>
    %mul3A_125 = arith.constant 2.000000e-01 : f32
    %mul3A_126 = vector.broadcast %mul3A_125 : f32 to vector<1024x256xf32>
    %mul3A_127 = arith.mulf %mul3A_126, %add3A_121 : vector<1024x256xf32>
    %select_n3A_128 = arith.select %ge3A_124, %add3A_121, %mul3A_127 : vector<1024x256xi1>, vector<1024x256xf32>
    %dot_general3A_129 = arith.constant dense<0.000000e+00> : vector<1024x192xf32>
    %dot_general3A_130 = tpu.matmul %select_n3A_128, %concatenate3A, %dot_general3A_129 {dimension_numbers = #tpu.dot_dimension_numbers<[1], [0], [0], [1], [0, 0, 1, 1], [], []>, transpose_lhs_hint = false} : vector<1024x256xf32>, vector<256x192xf32>, vector<1024x192xf32> -> vector<1024x192xf32>
    %max3A_131 = arith.maximumf %max3A_104, %dot_general3A_130 : vector<1024x192xf32>
    %get3A_132 = arith.constant 0 : index
    %get3A_133 = arith.constant 4 : index
    %get3A_134 = arith.constant 0 : index
    %get3A_135 = arith.constant 0 : index
    %get3A_136 = vector.load %arg2[%get3A_132, %get3A_133, %get3A_134, %get3A_135] : memref<1x8x1024x128xi32, #tpu.memory_space<vmem>>, vector<1x1x1024x128xi32>
    %get3A_137 = vector.shape_cast %get3A_136 : vector<1x1x1024x128xi32> to vector<1024x128xi32>
    %bitcast_convert_type3A_138 = tpu.bitcast %get3A_137 : vector<1024x128xi32> -> vector<1024x128xi32>
    %shift_left3A_139 = arith.constant 16 : i32
    %shift_left3A_140 = vector.broadcast %shift_left3A_139 : i32 to vector<1024x128xi32>
    %shift_left3A_141 = arith.shli %bitcast_convert_type3A_138, %shift_left3A_140 : vector<1024x128xi32>
    %bitcast_convert_type3A_142 = tpu.bitcast %shift_left3A_141 : vector<1024x128xi32> -> vector<1024x128xf32>
    %and3A_143 = arith.constant -65536 : i32
    %and3A_144 = vector.broadcast %and3A_143 : i32 to vector<1024x128xi32>
    %and3A_145 = arith.andi %bitcast_convert_type3A_138, %and3A_144 : vector<1024x128xi32>
    %bitcast_convert_type3A_146 = tpu.bitcast %and3A_145 : vector<1024x128xi32> -> vector<1024x128xf32>
    %concatenate3A_147 = tpu.concatenate %bitcast_convert_type3A_142, %bitcast_convert_type3A_146 in 1 : vector<1024x128xf32>, vector<1024x128xf32> -> vector<1024x256xf32>
    %add3A_148 = arith.addf %concatenate3A_147, %get3A_3 : vector<1024x256xf32>
    %ge3A_149 = arith.constant 0.000000e+00 : f32
    %ge3A_150 = vector.broadcast %ge3A_149 : f32 to vector<1024x256xf32>
    %ge3A_151 = arith.cmpf oge, %add3A_148, %ge3A_150 : vector<1024x256xf32>
    %mul3A_152 = arith.constant 2.000000e-01 : f32
    %mul3A_153 = vector.broadcast %mul3A_152 : f32 to vector<1024x256xf32>
    %mul3A_154 = arith.mulf %mul3A_153, %add3A_148 : vector<1024x256xf32>
    %select_n3A_155 = arith.select %ge3A_151, %add3A_148, %mul3A_154 : vector<1024x256xi1>, vector<1024x256xf32>
    %dot_general3A_156 = arith.constant dense<0.000000e+00> : vector<1024x192xf32>
    %dot_general3A_157 = tpu.matmul %select_n3A_155, %concatenate3A, %dot_general3A_156 {dimension_numbers = #tpu.dot_dimension_numbers<[1], [0], [0], [1], [0, 0, 1, 1], [], []>, transpose_lhs_hint = false} : vector<1024x256xf32>, vector<256x192xf32>, vector<1024x192xf32> -> vector<1024x192xf32>
    %max3A_158 = arith.maximumf %max3A_131, %dot_general3A_157 : vector<1024x192xf32>
    %get3A_159 = arith.constant 0 : index
    %get3A_160 = arith.constant 5 : index
    %get3A_161 = arith.constant 0 : index
    %get3A_162 = arith.constant 0 : index
    %get3A_163 = vector.load %arg2[%get3A_159, %get3A_160, %get3A_161, %get3A_162] : memref<1x8x1024x128xi32, #tpu.memory_space<vmem>>, vector<1x1x1024x128xi32>
    %get3A_164 = vector.shape_cast %get3A_163 : vector<1x1x1024x128xi32> to vector<1024x128xi32>
    %bitcast_convert_type3A_165 = tpu.bitcast %get3A_164 : vector<1024x128xi32> -> vector<1024x128xi32>
    %shift_left3A_166 = arith.constant 16 : i32
    %shift_left3A_167 = vector.broadcast %shift_left3A_166 : i32 to vector<1024x128xi32>
    %shift_left3A_168 = arith.shli %bitcast_convert_type3A_165, %shift_left3A_167 : vector<1024x128xi32>
    %bitcast_convert_type3A_169 = tpu.bitcast %shift_left3A_168 : vector<1024x128xi32> -> vector<1024x128xf32>
    %and3A_170 = arith.constant -65536 : i32
    %and3A_171 = vector.broadcast %and3A_170 : i32 to vector<1024x128xi32>
    %and3A_172 = arith.andi %bitcast_convert_type3A_165, %and3A_171 : vector<1024x128xi32>
    %bitcast_convert_type3A_173 = tpu.bitcast %and3A_172 : vector<1024x128xi32> -> vector<1024x128xf32>
    %concatenate3A_174 = tpu.concatenate %bitcast_convert_type3A_169, %bitcast_convert_type3A_173 in 1 : vector<1024x128xf32>, vector<1024x128xf32> -> vector<1024x256xf32>
    %add3A_175 = arith.addf %concatenate3A_174, %get3A_3 : vector<1024x256xf32>
    %ge3A_176 = arith.constant 0.000000e+00 : f32
    %ge3A_177 = vector.broadcast %ge3A_176 : f32 to vector<1024x256xf32>
    %ge3A_178 = arith.cmpf oge, %add3A_175, %ge3A_177 : vector<1024x256xf32>
    %mul3A_179 = arith.constant 2.000000e-01 : f32
    %mul3A_180 = vector.broadcast %mul3A_179 : f32 to vector<1024x256xf32>
    %mul3A_181 = arith.mulf %mul3A_180, %add3A_175 : vector<1024x256xf32>
    %select_n3A_182 = arith.select %ge3A_178, %add3A_175, %mul3A_181 : vector<1024x256xi1>, vector<1024x256xf32>
    %dot_general3A_183 = arith.constant dense<0.000000e+00> : vector<1024x192xf32>
    %dot_general3A_184 = tpu.matmul %select_n3A_182, %concatenate3A, %dot_general3A_183 {dimension_numbers = #tpu.dot_dimension_numbers<[1], [0], [0], [1], [0, 0, 1, 1], [], []>, transpose_lhs_hint = false} : vector<1024x256xf32>, vector<256x192xf32>, vector<1024x192xf32> -> vector<1024x192xf32>
    %max3A_185 = arith.maximumf %max3A_158, %dot_general3A_184 : vector<1024x192xf32>
    %get3A_186 = arith.constant 0 : index
    %get3A_187 = arith.constant 6 : index
    %get3A_188 = arith.constant 0 : index
    %get3A_189 = arith.constant 0 : index
    %get3A_190 = vector.load %arg2[%get3A_186, %get3A_187, %get3A_188, %get3A_189] : memref<1x8x1024x128xi32, #tpu.memory_space<vmem>>, vector<1x1x1024x128xi32>
    %get3A_191 = vector.shape_cast %get3A_190 : vector<1x1x1024x128xi32> to vector<1024x128xi32>
    %bitcast_convert_type3A_192 = tpu.bitcast %get3A_191 : vector<1024x128xi32> -> vector<1024x128xi32>
    %shift_left3A_193 = arith.constant 16 : i32
    %shift_left3A_194 = vector.broadcast %shift_left3A_193 : i32 to vector<1024x128xi32>
    %shift_left3A_195 = arith.shli %bitcast_convert_type3A_192, %shift_left3A_194 : vector<1024x128xi32>
    %bitcast_convert_type3A_196 = tpu.bitcast %shift_left3A_195 : vector<1024x128xi32> -> vector<1024x128xf32>
    %and3A_197 = arith.constant -65536 : i32
    %and3A_198 = vector.broadcast %and3A_197 : i32 to vector<1024x128xi32>
    %and3A_199 = arith.andi %bitcast_convert_type3A_192, %and3A_198 : vector<1024x128xi32>
    %bitcast_convert_type3A_200 = tpu.bitcast %and3A_199 : vector<1024x128xi32> -> vector<1024x128xf32>
    %concatenate3A_201 = tpu.concatenate %bitcast_convert_type3A_196, %bitcast_convert_type3A_200 in 1 : vector<1024x128xf32>, vector<1024x128xf32> -> vector<1024x256xf32>
    %add3A_202 = arith.addf %concatenate3A_201, %get3A_3 : vector<1024x256xf32>
    %ge3A_203 = arith.constant 0.000000e+00 : f32
    %ge3A_204 = vector.broadcast %ge3A_203 : f32 to vector<1024x256xf32>
    %ge3A_205 = arith.cmpf oge, %add3A_202, %ge3A_204 : vector<1024x256xf32>
    %mul3A_206 = arith.constant 2.000000e-01 : f32
    %mul3A_207 = vector.broadcast %mul3A_206 : f32 to vector<1024x256xf32>
    %mul3A_208 = arith.mulf %mul3A_207, %add3A_202 : vector<1024x256xf32>
    %select_n3A_209 = arith.select %ge3A_205, %add3A_202, %mul3A_208 : vector<1024x256xi1>, vector<1024x256xf32>
    %dot_general3A_210 = arith.constant dense<0.000000e+00> : vector<1024x192xf32>
    %dot_general3A_211 = tpu.matmul %select_n3A_209, %concatenate3A, %dot_general3A_210 {dimension_numbers = #tpu.dot_dimension_numbers<[1], [0], [0], [1], [0, 0, 1, 1], [], []>, transpose_lhs_hint = false} : vector<1024x256xf32>, vector<256x192xf32>, vector<1024x192xf32> -> vector<1024x192xf32>
    %max3A_212 = arith.maximumf %max3A_185, %dot_general3A_211 : vector<1024x192xf32>
    %get3A_213 = arith.constant 0 : index
    %get3A_214 = arith.constant 7 : index
    %get3A_215 = arith.constant 0 : index
    %get3A_216 = arith.constant 0 : index
    %get3A_217 = vector.load %arg2[%get3A_213, %get3A_214, %get3A_215, %get3A_216] : memref<1x8x1024x128xi32, #tpu.memory_space<vmem>>, vector<1x1x1024x128xi32>
    %get3A_218 = vector.shape_cast %get3A_217 : vector<1x1x1024x128xi32> to vector<1024x128xi32>
    %bitcast_convert_type3A_219 = tpu.bitcast %get3A_218 : vector<1024x128xi32> -> vector<1024x128xi32>
    %shift_left3A_220 = arith.constant 16 : i32
    %shift_left3A_221 = vector.broadcast %shift_left3A_220 : i32 to vector<1024x128xi32>
    %shift_left3A_222 = arith.shli %bitcast_convert_type3A_219, %shift_left3A_221 : vector<1024x128xi32>
    %bitcast_convert_type3A_223 = tpu.bitcast %shift_left3A_222 : vector<1024x128xi32> -> vector<1024x128xf32>
    %and3A_224 = arith.constant -65536 : i32
    %and3A_225 = vector.broadcast %and3A_224 : i32 to vector<1024x128xi32>
    %and3A_226 = arith.andi %bitcast_convert_type3A_219, %and3A_225 : vector<1024x128xi32>
    %bitcast_convert_type3A_227 = tpu.bitcast %and3A_226 : vector<1024x128xi32> -> vector<1024x128xf32>
    %concatenate3A_228 = tpu.concatenate %bitcast_convert_type3A_223, %bitcast_convert_type3A_227 in 1 : vector<1024x128xf32>, vector<1024x128xf32> -> vector<1024x256xf32>
    %add3A_229 = arith.addf %concatenate3A_228, %get3A_3 : vector<1024x256xf32>
    %ge3A_230 = arith.constant 0.000000e+00 : f32
    %ge3A_231 = vector.broadcast %ge3A_230 : f32 to vector<1024x256xf32>
    %ge3A_232 = arith.cmpf oge, %add3A_229, %ge3A_231 : vector<1024x256xf32>
    %mul3A_233 = arith.constant 2.000000e-01 : f32
    %mul3A_234 = vector.broadcast %mul3A_233 : f32 to vector<1024x256xf32>
    %mul3A_235 = arith.mulf %mul3A_234, %add3A_229 : vector<1024x256xf32>
    %select_n3A_236 = arith.select %ge3A_232, %add3A_229, %mul3A_235 : vector<1024x256xi1>, vector<1024x256xf32>
    %dot_general3A_237 = arith.constant dense<0.000000e+00> : vector<1024x192xf32>
    %dot_general3A_238 = tpu.matmul %select_n3A_236, %concatenate3A, %dot_general3A_237 {dimension_numbers = #tpu.dot_dimension_numbers<[1], [0], [0], [1], [0, 0, 1, 1], [], []>, transpose_lhs_hint = false} : vector<1024x256xf32>, vector<256x192xf32>, vector<1024x192xf32> -> vector<1024x192xf32>
    %max3A_239 = arith.maximumf %max3A_212, %dot_general3A_238 : vector<1024x192xf32>
    %get3A_240 = arith.constant 0 : index
    %get3A_241 = arith.constant 0 : index
    %get3A_242 = vector.load %arg6[%get3A_240, %get3A_241] : memref<192x192xf32, #tpu.memory_space<vmem>>, vector<192x192xf32>
    %dot_general3A_243 = arith.constant dense<0.000000e+00> : vector<1024x192xf32>
    %dot_general3A_244 = tpu.matmul %max3A_239, %get3A_242, %dot_general3A_243 {dimension_numbers = #tpu.dot_dimension_numbers<[1], [0], [0], [1], [0, 0, 1, 1], [], []>, transpose_lhs_hint = false} : vector<1024x192xf32>, vector<192x192xf32>, vector<1024x192xf32> -> vector<1024x192xf32>
    %get3A_245 = arith.constant 0 : index
    %get3A_246 = arith.constant 0 : index
    %get3A_247 = vector.load %arg7[%get3A_245, %get3A_246] : memref<1x192xf32, #tpu.memory_space<vmem>>, vector<1x192xf32>
    %add3A_248 = vector.broadcast %get3A_247 : vector<1x192xf32> to vector<1024x192xf32>
    %add3A_249 = arith.addf %dot_general3A_244, %add3A_248 : vector<1024x192xf32>
    %swap3A = arith.constant 0 : index
    %swap3A_250 = arith.constant 0 : index
    %swap3A_251 = arith.constant 0 : index
    %swap3A_252 = vector.load %arg8[%swap3A, %swap3A_250, %swap3A_251] : memref<1x1024x192xf32, #tpu.memory_space<vmem>>, vector<1x1024x192xf32>
    %swap3A_253 = vector.shape_cast %swap3A_252 : vector<1x1024x192xf32> to vector<1024x192xf32>
    %swap3A_254 = vector.shape_cast %add3A_249 : vector<1024x192xf32> to vector<1x1024x192xf32>
    tpu.vector_store %arg8[%swap3A, %swap3A_250, %swap3A_251], %swap3A_254 {strides = array<i32>} : memref<1x1024x192xf32, #tpu.memory_space<vmem>>, vector<1x1024x192xf32>,
    %eq3A = arith.constant 0 : i32
    %eq3A_255 = arith.cmpi eq, %arg0, %eq3A : i32
    %eq3A_256 = arith.constant 0 : i32
    %eq3A_257 = arith.cmpi eq, %arg1, %eq3A_256 : i32
    %and3A_258 = arith.andi %eq3A_255, %eq3A_257 : i1
    %reduce_sum3A = arith.constant dense<0.000000e+00> : vector<192xf32>
    %reduce_sum3A_259 = vector.multi_reduction <add>, %add3A_249, %reduce_sum3A [0] : vector<1024x192xf32> to vector<192xf32>
    %broadcast_in_dim3A_260 = vector.shape_cast %reduce_sum3A_259 : vector<192xf32> to vector<1x192xf32>
    %mul3A_261 = arith.mulf %add3A_249, %add3A_249 : vector<1024x192xf32>
    %reduce_sum3A_262 = arith.constant dense<0.000000e+00> : vector<192xf32>
    %reduce_sum3A_263 = vector.multi_reduction <add>, %mul3A_261, %reduce_sum3A_262 [0] : vector<1024x192xf32> to vector<192xf32>
    %broadcast_in_dim3A_264 = vector.shape_cast %reduce_sum3A_263 : vector<192xf32> to vector<1x192xf32>
    %broadcast_in_dim3A_265 = arith.constant 0.000000e+00 : f32
    %broadcast_in_dim3A_266 = vector.broadcast %broadcast_in_dim3A_265 : f32 to vector<6x192xf32>
    %concatenate3A_267 = tpu.concatenate %broadcast_in_dim3A_260, %broadcast_in_dim3A_264, %broadcast_in_dim3A_266 in 0 : vector<1x192xf32>, vector<1x192xf32>, vector<6x192xf32> -> vector<8x192xf32>
    %convert_element_type3A = arith.extui %and3A_258 : i1 to i32
    %cond3A = arith.constant 0 : i32
    %cond3A_268 = arith.cmpi ne, %convert_element_type3A, %cond3A : i32
    scf.if %cond3A_268 {
      %swap3A_273 = arith.constant 0 : index
      %swap3A_274 = arith.constant 0 : index
      %swap3A_275 = vector.load %arg9[%swap3A_273, %swap3A_274] : memref<8x192xf32, #tpu.memory_space<vmem>>, vector<8x192xf32>
      tpu.vector_store %arg9[%swap3A_273, %swap3A_274], %concatenate3A_267 {strides = array<i32>} : memref<8x192xf32, #tpu.memory_space<vmem>>, vector<8x192xf32>,
    } else {
    }
    %not3A = arith.constant true
    %not3A_269 = arith.xori %and3A_258, %not3A : i1
    %convert_element_type3A_270 = arith.extui %not3A_269 : i1 to i32
    %cond3A_271 = arith.constant 0 : i32
    %cond3A_272 = arith.cmpi ne, %convert_element_type3A_270, %cond3A_271 : i32
    scf.if %cond3A_272 {
      %get3A_273 = arith.constant 0 : index
      %get3A_274 = arith.constant 0 : index
      %get3A_275 = vector.load %arg9[%get3A_273, %get3A_274] : memref<8x192xf32, #tpu.memory_space<vmem>>, vector<8x192xf32>
      %add3A_276 = arith.addf %get3A_275, %concatenate3A_267 : vector<8x192xf32>
      %swap3A_277 = arith.constant 0 : index
      %swap3A_278 = arith.constant 0 : index
      %swap3A_279 = vector.load %arg9[%swap3A_277, %swap3A_278] : memref<8x192xf32, #tpu.memory_space<vmem>>, vector<8x192xf32>
      tpu.vector_store %arg9[%swap3A_277, %swap3A_278], %add3A_276 {strides = array<i32>} : memref<8x192xf32, #tpu.memory_space<vmem>>, vector<8x192xf32>,
    } else {
    }
    return
  }
  func.func @transform_0(%arg0: i32, %arg1: i32) -> (i32, i32, i32, i32) {
    %c0_i32 = arith.constant 0 : i32
    %c0_i32_0 = arith.constant 0 : i32
    %c0_i32_1 = arith.constant 0 : i32
    return %arg0, %c0_i32, %arg1, %c0_i32_0 : i32, i32, i32, i32
  }
  func.func @transform_1(%arg0: i32, %arg1: i32) -> (i32, i32, i32) {
    %add3A = arith.constant 0 : i32
    %add3A_0 = arith.addi %arg0, %add3A : i32
    %c0_i32 = arith.constant 0 : i32
    %c0_i32_1 = arith.constant 0 : i32
    return %add3A_0, %arg1, %c0_i32 : i32, i32, i32
  }
  func.func @transform_2(%arg0: i32, %arg1: i32) -> (i32, i32, i32) {
    %add3A = arith.constant 0 : i32
    %add3A_0 = arith.addi %arg0, %add3A : i32
    %c0_i32 = arith.constant 0 : i32
    %c0_i32_1 = arith.constant 0 : i32
    return %add3A_0, %arg1, %c0_i32 : i32, i32, i32
  }
  func.func @transform_3(%arg0: i32, %arg1: i32) -> (i32, i32) {
    %c0_i32 = arith.constant 0 : i32
    %c0_i32_0 = arith.constant 0 : i32
    %c0_i32_1 = arith.constant 0 : i32
    return %c0_i32, %c0_i32_0 : i32, i32
  }
  func.func @transform_4(%arg0: i32, %arg1: i32) -> (i32, i32) {
    %c0_i32 = arith.constant 0 : i32
    %c0_i32_0 = arith.constant 0 : i32
    %c0_i32_1 = arith.constant 0 : i32
    return %c0_i32, %c0_i32_0 : i32, i32
  }
  func.func @transform_5(%arg0: i32, %arg1: i32) -> (i32, i32) {
    %c0_i32 = arith.constant 0 : i32
    %c0_i32_0 = arith.constant 0 : i32
    %c0_i32_1 = arith.constant 0 : i32
    return %c0_i32, %c0_i32_0 : i32, i32
  }
  func.func @transform_6(%arg0: i32, %arg1: i32) -> (i32, i32, i32) {
    %c0_i32 = arith.constant 0 : i32
    %c0_i32_0 = arith.constant 0 : i32
    return %arg0, %arg1, %c0_i32 : i32, i32, i32
  }
  func.func @transform_7(%arg0: i32, %arg1: i32) -> (i32, i32) {
    %c0_i32 = arith.constant 0 : i32
    %c0_i32_0 = arith.constant 0 : i32
    %c0_i32_1 = arith.constant 0 : i32
    return %c0_i32, %c0_i32_0 : i32, i32
  }
}

module attributes {stable_mosaic.version = 14 : i64} {
  func.func @_k5(%arg0: i32, %arg1: i32, %arg2: memref<1x8x1024x128xi32, #tpu.memory_space<vmem>>, %arg3: memref<1x1024x128xi32, #tpu.memory_space<vmem>>, %arg4: memref<1x1024x256xf32, #tpu.memory_space<vmem>>, %arg5: memref<192x192xf32, #tpu.memory_space<vmem>>, %arg6: memref<192x192xf32, #tpu.memory_space<vmem>>, %arg7: memref<1x192xf32, #tpu.memory_space<vmem>>, %arg8: memref<1x1024x192xf32, #tpu.memory_space<vmem>>, %arg9: memref<8x192xf32, #tpu.memory_space<vmem>>) attributes {dimension_semantics = [#tpu.dimension_semantics<arbitrary>, #tpu.dimension_semantics<arbitrary>], iteration_bounds = array<i64: 4, 1>, scalar_prefetch = 0 : i64, scratch_operands = 0 : i64, tpu.core_type = #tpu.core_type<tc>, window_params = [{transform_indices = @transform_0, window_bounds = array<i64: 1, 8, 1024, 128>}, {transform_indices = @transform_1, window_bounds = array<i64: 1, 1024, 128>}, {transform_indices = @transform_2, window_bounds = array<i64: 1, 1024, 256>}, {pipeline_mode = #tpu.pipeline_mode<synchronous>, transform_indices = @transform_3, window_bounds = array<i64: 192, 192>}, {pipeline_mode = #tpu.pipeline_mode<synchronous>, transform_indices = @transform_4, window_bounds = array<i64: 192, 192>}, {pipeline_mode = #tpu.pipeline_mode<synchronous>, transform_indices = @transform_5, window_bounds = array<i64: 1, 192>}, {transform_indices = @transform_6, window_bounds = array<i64: 1, 1024, 192>}, {pipeline_mode = #tpu.pipeline_mode<synchronous>, transform_indices = @transform_7, window_bounds = array<i64: 8, 192>}]} {
    %get3A = arith.constant 0 : index
    %get3A_0 = arith.constant 0 : index
    %get3A_1 = arith.constant 0 : index
    %get3A_2 = vector.load %arg4[%get3A, %get3A_0, %get3A_1] : memref<1x1024x256xf32, #tpu.memory_space<vmem>>, vector<1x1024x256xf32>
    %get3A_3 = vector.shape_cast %get3A_2 : vector<1x1024x256xf32> to vector<1024x256xf32>
    %get3A_4 = arith.constant 0 : index
    %get3A_5 = arith.constant 0 : index
    %get3A_6 = vector.load %arg5[%get3A_4, %get3A_5] : memref<192x192xf32, #tpu.memory_space<vmem>>, vector<192x192xf32>
    %broadcast_in_dim3A = arith.constant 0.000000e+00 : f32
    %broadcast_in_dim3A_7 = vector.broadcast %broadcast_in_dim3A : f32 to vector<64x192xf32>
    %concatenate3A = tpu.concatenate %get3A_6, %broadcast_in_dim3A_7 in 0 : vector<192x192xf32>, vector<64x192xf32> -> vector<256x192xf32>
    %get3A_8 = arith.constant 0 : index
    %get3A_9 = arith.constant 0 : index
    %get3A_10 = arith.constant 0 : index
    %get3A_11 = vector.load %arg3[%get3A_8, %get3A_9, %get3A_10] : memref<1x1024x128xi32, #tpu.memory_space<vmem>>, vector<1x1024x128xi32>
    %get3A_12 = vector.shape_cast %get3A_11 : vector<1x1024x128xi32> to vector<1024x128xi32>
    %bitcast_convert_type3A = tpu.bitcast %get3A_12 : vector<1024x128xi32> -> vector<1024x128xi32>
    %shift_left3A = arith.constant 16 : i32
    %shift_left3A_13 = vector.broadcast %shift_left3A : i32 to vector<1024x128xi32>
    %shift_left3A_14 = arith.shli %bitcast_convert_type3A, %shift_left3A_13 : vector<1024x128xi32>
    %bitcast_convert_type3A_15 = tpu.bitcast %shift_left3A_14 : vector<1024x128xi32> -> vector<1024x128xf32>
    %and3A = arith.constant -65536 : i32
    %and3A_16 = vector.broadcast %and3A : i32 to vector<1024x128xi32>
    %and3A_17 = arith.andi %bitcast_convert_type3A, %and3A_16 : vector<1024x128xi32>
    %bitcast_convert_type3A_18 = tpu.bitcast %and3A_17 : vector<1024x128xi32> -> vector<1024x128xf32>
    %concatenate3A_19 = tpu.concatenate %bitcast_convert_type3A_15, %bitcast_convert_type3A_18 in 1 : vector<1024x128xf32>, vector<1024x128xf32> -> vector<1024x256xf32>
    %add3A = arith.addf %concatenate3A_19, %get3A_3 : vector<1024x256xf32>
    %ge3A = arith.constant 0.000000e+00 : f32
    %ge3A_20 = vector.broadcast %ge3A : f32 to vector<1024x256xf32>
    %ge3A_21 = arith.cmpf oge, %add3A, %ge3A_20 : vector<1024x256xf32>
    %mul3A = arith.constant 2.000000e-01 : f32
    %mul3A_22 = vector.broadcast %mul3A : f32 to vector<1024x256xf32>
    %mul3A_23 = arith.mulf %mul3A_22, %add3A : vector<1024x256xf32>
    %select_n3A = arith.select %ge3A_21, %add3A, %mul3A_23 : vector<1024x256xi1>, vector<1024x256xf32>
    %dot_general3A = arith.constant dense<0.000000e+00> : vector<1024x192xf32>
    %dot_general3A_24 = tpu.matmul %select_n3A, %concatenate3A, %dot_general3A {dimension_numbers = #tpu.dot_dimension_numbers<[1], [0], [0], [1], [0, 0, 1, 1], [], []>, transpose_lhs_hint = false} : vector<1024x256xf32>, vector<256x192xf32>, vector<1024x192xf32> -> vector<1024x192xf32>
    %get3A_25 = arith.constant 0 : index
    %get3A_26 = arith.constant 0 : index
    %get3A_27 = arith.constant 0 : index
    %get3A_28 = arith.constant 0 : index
    %get3A_29 = vector.load %arg2[%get3A_25, %get3A_26, %get3A_27, %get3A_28] : memref<1x8x1024x128xi32, #tpu.memory_space<vmem>>, vector<1x1x1024x128xi32>
    %get3A_30 = vector.shape_cast %get3A_29 : vector<1x1x1024x128xi32> to vector<1024x128xi32>
    %bitcast_convert_type3A_31 = tpu.bitcast %get3A_30 : vector<1024x128xi32> -> vector<1024x128xi32>
    %shift_left3A_32 = arith.constant 16 : i32
    %shift_left3A_33 = vector.broadcast %shift_left3A_32 : i32 to vector<1024x128xi32>
    %shift_left3A_34 = arith.shli %bitcast_convert_type3A_31, %shift_left3A_33 : vector<1024x128xi32>
    %bitcast_convert_type3A_35 = tpu.bitcast %shift_left3A_34 : vector<1024x128xi32> -> vector<1024x128xf32>
    %and3A_36 = arith.constant -65536 : i32
    %and3A_37 = vector.broadcast %and3A_36 : i32 to vector<1024x128xi32>
    %and3A_38 = arith.andi %bitcast_convert_type3A_31, %and3A_37 : vector<1024x128xi32>
    %bitcast_convert_type3A_39 = tpu.bitcast %and3A_38 : vector<1024x128xi32> -> vector<1024x128xf32>
    %concatenate3A_40 = tpu.concatenate %bitcast_convert_type3A_35, %bitcast_convert_type3A_39 in 1 : vector<1024x128xf32>, vector<1024x128xf32> -> vector<1024x256xf32>
    %add3A_41 = arith.addf %concatenate3A_40, %get3A_3 : vector<1024x256xf32>
    %ge3A_42 = arith.constant 0.000000e+00 : f32
    %ge3A_43 = vector.broadcast %ge3A_42 : f32 to vector<1024x256xf32>
    %ge3A_44 = arith.cmpf oge, %add3A_41, %ge3A_43 : vector<1024x256xf32>
    %mul3A_45 = arith.constant 2.000000e-01 : f32
    %mul3A_46 = vector.broadcast %mul3A_45 : f32 to vector<1024x256xf32>
    %mul3A_47 = arith.mulf %mul3A_46, %add3A_41 : vector<1024x256xf32>
    %select_n3A_48 = arith.select %ge3A_44, %add3A_41, %mul3A_47 : vector<1024x256xi1>, vector<1024x256xf32>
    %dot_general3A_49 = arith.constant dense<0.000000e+00> : vector<1024x192xf32>
    %dot_general3A_50 = tpu.matmul %select_n3A_48, %concatenate3A, %dot_general3A_49 {dimension_numbers = #tpu.dot_dimension_numbers<[1], [0], [0], [1], [0, 0, 1, 1], [], []>, transpose_lhs_hint = false} : vector<1024x256xf32>, vector<256x192xf32>, vector<1024x192xf32> -> vector<1024x192xf32>
    %max3A = arith.maximumf %dot_general3A_24, %dot_general3A_50 : vector<1024x192xf32>
    %get3A_51 = arith.constant 0 : index
    %get3A_52 = arith.constant 1 : index
    %get3A_53 = arith.constant 0 : index
    %get3A_54 = arith.constant 0 : index
    %get3A_55 = vector.load %arg2[%get3A_51, %get3A_52, %get3A_53, %get3A_54] : memref<1x8x1024x128xi32, #tpu.memory_space<vmem>>, vector<1x1x1024x128xi32>
    %get3A_56 = vector.shape_cast %get3A_55 : vector<1x1x1024x128xi32> to vector<1024x128xi32>
    %bitcast_convert_type3A_57 = tpu.bitcast %get3A_56 : vector<1024x128xi32> -> vector<1024x128xi32>
    %shift_left3A_58 = arith.constant 16 : i32
    %shift_left3A_59 = vector.broadcast %shift_left3A_58 : i32 to vector<1024x128xi32>
    %shift_left3A_60 = arith.shli %bitcast_convert_type3A_57, %shift_left3A_59 : vector<1024x128xi32>
    %bitcast_convert_type3A_61 = tpu.bitcast %shift_left3A_60 : vector<1024x128xi32> -> vector<1024x128xf32>
    %and3A_62 = arith.constant -65536 : i32
    %and3A_63 = vector.broadcast %and3A_62 : i32 to vector<1024x128xi32>
    %and3A_64 = arith.andi %bitcast_convert_type3A_57, %and3A_63 : vector<1024x128xi32>
    %bitcast_convert_type3A_65 = tpu.bitcast %and3A_64 : vector<1024x128xi32> -> vector<1024x128xf32>
    %concatenate3A_66 = tpu.concatenate %bitcast_convert_type3A_61, %bitcast_convert_type3A_65 in 1 : vector<1024x128xf32>, vector<1024x128xf32> -> vector<1024x256xf32>
    %add3A_67 = arith.addf %concatenate3A_66, %get3A_3 : vector<1024x256xf32>
    %ge3A_68 = arith.constant 0.000000e+00 : f32
    %ge3A_69 = vector.broadcast %ge3A_68 : f32 to vector<1024x256xf32>
    %ge3A_70 = arith.cmpf oge, %add3A_67, %ge3A_69 : vector<1024x256xf32>
    %mul3A_71 = arith.constant 2.000000e-01 : f32
    %mul3A_72 = vector.broadcast %mul3A_71 : f32 to vector<1024x256xf32>
    %mul3A_73 = arith.mulf %mul3A_72, %add3A_67 : vector<1024x256xf32>
    %select_n3A_74 = arith.select %ge3A_70, %add3A_67, %mul3A_73 : vector<1024x256xi1>, vector<1024x256xf32>
    %dot_general3A_75 = arith.constant dense<0.000000e+00> : vector<1024x192xf32>
    %dot_general3A_76 = tpu.matmul %select_n3A_74, %concatenate3A, %dot_general3A_75 {dimension_numbers = #tpu.dot_dimension_numbers<[1], [0], [0], [1], [0, 0, 1, 1], [], []>, transpose_lhs_hint = false} : vector<1024x256xf32>, vector<256x192xf32>, vector<1024x192xf32> -> vector<1024x192xf32>
    %max3A_77 = arith.maximumf %max3A, %dot_general3A_76 : vector<1024x192xf32>
    %get3A_78 = arith.constant 0 : index
    %get3A_79 = arith.constant 2 : index
    %get3A_80 = arith.constant 0 : index
    %get3A_81 = arith.constant 0 : index
    %get3A_82 = vector.load %arg2[%get3A_78, %get3A_79, %get3A_80, %get3A_81] : memref<1x8x1024x128xi32, #tpu.memory_space<vmem>>, vector<1x1x1024x128xi32>
    %get3A_83 = vector.shape_cast %get3A_82 : vector<1x1x1024x128xi32> to vector<1024x128xi32>
    %bitcast_convert_type3A_84 = tpu.bitcast %get3A_83 : vector<1024x128xi32> -> vector<1024x128xi32>
    %shift_left3A_85 = arith.constant 16 : i32
    %shift_left3A_86 = vector.broadcast %shift_left3A_85 : i32 to vector<1024x128xi32>
    %shift_left3A_87 = arith.shli %bitcast_convert_type3A_84, %shift_left3A_86 : vector<1024x128xi32>
    %bitcast_convert_type3A_88 = tpu.bitcast %shift_left3A_87 : vector<1024x128xi32> -> vector<1024x128xf32>
    %and3A_89 = arith.constant -65536 : i32
    %and3A_90 = vector.broadcast %and3A_89 : i32 to vector<1024x128xi32>
    %and3A_91 = arith.andi %bitcast_convert_type3A_84, %and3A_90 : vector<1024x128xi32>
    %bitcast_convert_type3A_92 = tpu.bitcast %and3A_91 : vector<1024x128xi32> -> vector<1024x128xf32>
    %concatenate3A_93 = tpu.concatenate %bitcast_convert_type3A_88, %bitcast_convert_type3A_92 in 1 : vector<1024x128xf32>, vector<1024x128xf32> -> vector<1024x256xf32>
    %add3A_94 = arith.addf %concatenate3A_93, %get3A_3 : vector<1024x256xf32>
    %ge3A_95 = arith.constant 0.000000e+00 : f32
    %ge3A_96 = vector.broadcast %ge3A_95 : f32 to vector<1024x256xf32>
    %ge3A_97 = arith.cmpf oge, %add3A_94, %ge3A_96 : vector<1024x256xf32>
    %mul3A_98 = arith.constant 2.000000e-01 : f32
    %mul3A_99 = vector.broadcast %mul3A_98 : f32 to vector<1024x256xf32>
    %mul3A_100 = arith.mulf %mul3A_99, %add3A_94 : vector<1024x256xf32>
    %select_n3A_101 = arith.select %ge3A_97, %add3A_94, %mul3A_100 : vector<1024x256xi1>, vector<1024x256xf32>
    %dot_general3A_102 = arith.constant dense<0.000000e+00> : vector<1024x192xf32>
    %dot_general3A_103 = tpu.matmul %select_n3A_101, %concatenate3A, %dot_general3A_102 {dimension_numbers = #tpu.dot_dimension_numbers<[1], [0], [0], [1], [0, 0, 1, 1], [], []>, transpose_lhs_hint = false} : vector<1024x256xf32>, vector<256x192xf32>, vector<1024x192xf32> -> vector<1024x192xf32>
    %max3A_104 = arith.maximumf %max3A_77, %dot_general3A_103 : vector<1024x192xf32>
    %get3A_105 = arith.constant 0 : index
    %get3A_106 = arith.constant 3 : index
    %get3A_107 = arith.constant 0 : index
    %get3A_108 = arith.constant 0 : index
    %get3A_109 = vector.load %arg2[%get3A_105, %get3A_106, %get3A_107, %get3A_108] : memref<1x8x1024x128xi32, #tpu.memory_space<vmem>>, vector<1x1x1024x128xi32>
    %get3A_110 = vector.shape_cast %get3A_109 : vector<1x1x1024x128xi32> to vector<1024x128xi32>
    %bitcast_convert_type3A_111 = tpu.bitcast %get3A_110 : vector<1024x128xi32> -> vector<1024x128xi32>
    %shift_left3A_112 = arith.constant 16 : i32
    %shift_left3A_113 = vector.broadcast %shift_left3A_112 : i32 to vector<1024x128xi32>
    %shift_left3A_114 = arith.shli %bitcast_convert_type3A_111, %shift_left3A_113 : vector<1024x128xi32>
    %bitcast_convert_type3A_115 = tpu.bitcast %shift_left3A_114 : vector<1024x128xi32> -> vector<1024x128xf32>
    %and3A_116 = arith.constant -65536 : i32
    %and3A_117 = vector.broadcast %and3A_116 : i32 to vector<1024x128xi32>
    %and3A_118 = arith.andi %bitcast_convert_type3A_111, %and3A_117 : vector<1024x128xi32>
    %bitcast_convert_type3A_119 = tpu.bitcast %and3A_118 : vector<1024x128xi32> -> vector<1024x128xf32>
    %concatenate3A_120 = tpu.concatenate %bitcast_convert_type3A_115, %bitcast_convert_type3A_119 in 1 : vector<1024x128xf32>, vector<1024x128xf32> -> vector<1024x256xf32>
    %add3A_121 = arith.addf %concatenate3A_120, %get3A_3 : vector<1024x256xf32>
    %ge3A_122 = arith.constant 0.000000e+00 : f32
    %ge3A_123 = vector.broadcast %ge3A_122 : f32 to vector<1024x256xf32>
    %ge3A_124 = arith.cmpf oge, %add3A_121, %ge3A_123 : vector<1024x256xf32>
    %mul3A_125 = arith.constant 2.000000e-01 : f32
    %mul3A_126 = vector.broadcast %mul3A_125 : f32 to vector<1024x256xf32>
    %mul3A_127 = arith.mulf %mul3A_126, %add3A_121 : vector<1024x256xf32>
    %select_n3A_128 = arith.select %ge3A_124, %add3A_121, %mul3A_127 : vector<1024x256xi1>, vector<1024x256xf32>
    %dot_general3A_129 = arith.constant dense<0.000000e+00> : vector<1024x192xf32>
    %dot_general3A_130 = tpu.matmul %select_n3A_128, %concatenate3A, %dot_general3A_129 {dimension_numbers = #tpu.dot_dimension_numbers<[1], [0], [0], [1], [0, 0, 1, 1], [], []>, transpose_lhs_hint = false} : vector<1024x256xf32>, vector<256x192xf32>, vector<1024x192xf32> -> vector<1024x192xf32>
    %max3A_131 = arith.maximumf %max3A_104, %dot_general3A_130 : vector<1024x192xf32>
    %get3A_132 = arith.constant 0 : index
    %get3A_133 = arith.constant 4 : index
    %get3A_134 = arith.constant 0 : index
    %get3A_135 = arith.constant 0 : index
    %get3A_136 = vector.load %arg2[%get3A_132, %get3A_133, %get3A_134, %get3A_135] : memref<1x8x1024x128xi32, #tpu.memory_space<vmem>>, vector<1x1x1024x128xi32>
    %get3A_137 = vector.shape_cast %get3A_136 : vector<1x1x1024x128xi32> to vector<1024x128xi32>
    %bitcast_convert_type3A_138 = tpu.bitcast %get3A_137 : vector<1024x128xi32> -> vector<1024x128xi32>
    %shift_left3A_139 = arith.constant 16 : i32
    %shift_left3A_140 = vector.broadcast %shift_left3A_139 : i32 to vector<1024x128xi32>
    %shift_left3A_141 = arith.shli %bitcast_convert_type3A_138, %shift_left3A_140 : vector<1024x128xi32>
    %bitcast_convert_type3A_142 = tpu.bitcast %shift_left3A_141 : vector<1024x128xi32> -> vector<1024x128xf32>
    %and3A_143 = arith.constant -65536 : i32
    %and3A_144 = vector.broadcast %and3A_143 : i32 to vector<1024x128xi32>
    %and3A_145 = arith.andi %bitcast_convert_type3A_138, %and3A_144 : vector<1024x128xi32>
    %bitcast_convert_type3A_146 = tpu.bitcast %and3A_145 : vector<1024x128xi32> -> vector<1024x128xf32>
    %concatenate3A_147 = tpu.concatenate %bitcast_convert_type3A_142, %bitcast_convert_type3A_146 in 1 : vector<1024x128xf32>, vector<1024x128xf32> -> vector<1024x256xf32>
    %add3A_148 = arith.addf %concatenate3A_147, %get3A_3 : vector<1024x256xf32>
    %ge3A_149 = arith.constant 0.000000e+00 : f32
    %ge3A_150 = vector.broadcast %ge3A_149 : f32 to vector<1024x256xf32>
    %ge3A_151 = arith.cmpf oge, %add3A_148, %ge3A_150 : vector<1024x256xf32>
    %mul3A_152 = arith.constant 2.000000e-01 : f32
    %mul3A_153 = vector.broadcast %mul3A_152 : f32 to vector<1024x256xf32>
    %mul3A_154 = arith.mulf %mul3A_153, %add3A_148 : vector<1024x256xf32>
    %select_n3A_155 = arith.select %ge3A_151, %add3A_148, %mul3A_154 : vector<1024x256xi1>, vector<1024x256xf32>
    %dot_general3A_156 = arith.constant dense<0.000000e+00> : vector<1024x192xf32>
    %dot_general3A_157 = tpu.matmul %select_n3A_155, %concatenate3A, %dot_general3A_156 {dimension_numbers = #tpu.dot_dimension_numbers<[1], [0], [0], [1], [0, 0, 1, 1], [], []>, transpose_lhs_hint = false} : vector<1024x256xf32>, vector<256x192xf32>, vector<1024x192xf32> -> vector<1024x192xf32>
    %max3A_158 = arith.maximumf %max3A_131, %dot_general3A_157 : vector<1024x192xf32>
    %get3A_159 = arith.constant 0 : index
    %get3A_160 = arith.constant 5 : index
    %get3A_161 = arith.constant 0 : index
    %get3A_162 = arith.constant 0 : index
    %get3A_163 = vector.load %arg2[%get3A_159, %get3A_160, %get3A_161, %get3A_162] : memref<1x8x1024x128xi32, #tpu.memory_space<vmem>>, vector<1x1x1024x128xi32>
    %get3A_164 = vector.shape_cast %get3A_163 : vector<1x1x1024x128xi32> to vector<1024x128xi32>
    %bitcast_convert_type3A_165 = tpu.bitcast %get3A_164 : vector<1024x128xi32> -> vector<1024x128xi32>
    %shift_left3A_166 = arith.constant 16 : i32
    %shift_left3A_167 = vector.broadcast %shift_left3A_166 : i32 to vector<1024x128xi32>
    %shift_left3A_168 = arith.shli %bitcast_convert_type3A_165, %shift_left3A_167 : vector<1024x128xi32>
    %bitcast_convert_type3A_169 = tpu.bitcast %shift_left3A_168 : vector<1024x128xi32> -> vector<1024x128xf32>
    %and3A_170 = arith.constant -65536 : i32
    %and3A_171 = vector.broadcast %and3A_170 : i32 to vector<1024x128xi32>
    %and3A_172 = arith.andi %bitcast_convert_type3A_165, %and3A_171 : vector<1024x128xi32>
    %bitcast_convert_type3A_173 = tpu.bitcast %and3A_172 : vector<1024x128xi32> -> vector<1024x128xf32>
    %concatenate3A_174 = tpu.concatenate %bitcast_convert_type3A_169, %bitcast_convert_type3A_173 in 1 : vector<1024x128xf32>, vector<1024x128xf32> -> vector<1024x256xf32>
    %add3A_175 = arith.addf %concatenate3A_174, %get3A_3 : vector<1024x256xf32>
    %ge3A_176 = arith.constant 0.000000e+00 : f32
    %ge3A_177 = vector.broadcast %ge3A_176 : f32 to vector<1024x256xf32>
    %ge3A_178 = arith.cmpf oge, %add3A_175, %ge3A_177 : vector<1024x256xf32>
    %mul3A_179 = arith.constant 2.000000e-01 : f32
    %mul3A_180 = vector.broadcast %mul3A_179 : f32 to vector<1024x256xf32>
    %mul3A_181 = arith.mulf %mul3A_180, %add3A_175 : vector<1024x256xf32>
    %select_n3A_182 = arith.select %ge3A_178, %add3A_175, %mul3A_181 : vector<1024x256xi1>, vector<1024x256xf32>
    %dot_general3A_183 = arith.constant dense<0.000000e+00> : vector<1024x192xf32>
    %dot_general3A_184 = tpu.matmul %select_n3A_182, %concatenate3A, %dot_general3A_183 {dimension_numbers = #tpu.dot_dimension_numbers<[1], [0], [0], [1], [0, 0, 1, 1], [], []>, transpose_lhs_hint = false} : vector<1024x256xf32>, vector<256x192xf32>, vector<1024x192xf32> -> vector<1024x192xf32>
    %max3A_185 = arith.maximumf %max3A_158, %dot_general3A_184 : vector<1024x192xf32>
    %get3A_186 = arith.constant 0 : index
    %get3A_187 = arith.constant 6 : index
    %get3A_188 = arith.constant 0 : index
    %get3A_189 = arith.constant 0 : index
    %get3A_190 = vector.load %arg2[%get3A_186, %get3A_187, %get3A_188, %get3A_189] : memref<1x8x1024x128xi32, #tpu.memory_space<vmem>>, vector<1x1x1024x128xi32>
    %get3A_191 = vector.shape_cast %get3A_190 : vector<1x1x1024x128xi32> to vector<1024x128xi32>
    %bitcast_convert_type3A_192 = tpu.bitcast %get3A_191 : vector<1024x128xi32> -> vector<1024x128xi32>
    %shift_left3A_193 = arith.constant 16 : i32
    %shift_left3A_194 = vector.broadcast %shift_left3A_193 : i32 to vector<1024x128xi32>
    %shift_left3A_195 = arith.shli %bitcast_convert_type3A_192, %shift_left3A_194 : vector<1024x128xi32>
    %bitcast_convert_type3A_196 = tpu.bitcast %shift_left3A_195 : vector<1024x128xi32> -> vector<1024x128xf32>
    %and3A_197 = arith.constant -65536 : i32
    %and3A_198 = vector.broadcast %and3A_197 : i32 to vector<1024x128xi32>
    %and3A_199 = arith.andi %bitcast_convert_type3A_192, %and3A_198 : vector<1024x128xi32>
    %bitcast_convert_type3A_200 = tpu.bitcast %and3A_199 : vector<1024x128xi32> -> vector<1024x128xf32>
    %concatenate3A_201 = tpu.concatenate %bitcast_convert_type3A_196, %bitcast_convert_type3A_200 in 1 : vector<1024x128xf32>, vector<1024x128xf32> -> vector<1024x256xf32>
    %add3A_202 = arith.addf %concatenate3A_201, %get3A_3 : vector<1024x256xf32>
    %ge3A_203 = arith.constant 0.000000e+00 : f32
    %ge3A_204 = vector.broadcast %ge3A_203 : f32 to vector<1024x256xf32>
    %ge3A_205 = arith.cmpf oge, %add3A_202, %ge3A_204 : vector<1024x256xf32>
    %mul3A_206 = arith.constant 2.000000e-01 : f32
    %mul3A_207 = vector.broadcast %mul3A_206 : f32 to vector<1024x256xf32>
    %mul3A_208 = arith.mulf %mul3A_207, %add3A_202 : vector<1024x256xf32>
    %select_n3A_209 = arith.select %ge3A_205, %add3A_202, %mul3A_208 : vector<1024x256xi1>, vector<1024x256xf32>
    %dot_general3A_210 = arith.constant dense<0.000000e+00> : vector<1024x192xf32>
    %dot_general3A_211 = tpu.matmul %select_n3A_209, %concatenate3A, %dot_general3A_210 {dimension_numbers = #tpu.dot_dimension_numbers<[1], [0], [0], [1], [0, 0, 1, 1], [], []>, transpose_lhs_hint = false} : vector<1024x256xf32>, vector<256x192xf32>, vector<1024x192xf32> -> vector<1024x192xf32>
    %max3A_212 = arith.maximumf %max3A_185, %dot_general3A_211 : vector<1024x192xf32>
    %get3A_213 = arith.constant 0 : index
    %get3A_214 = arith.constant 7 : index
    %get3A_215 = arith.constant 0 : index
    %get3A_216 = arith.constant 0 : index
    %get3A_217 = vector.load %arg2[%get3A_213, %get3A_214, %get3A_215, %get3A_216] : memref<1x8x1024x128xi32, #tpu.memory_space<vmem>>, vector<1x1x1024x128xi32>
    %get3A_218 = vector.shape_cast %get3A_217 : vector<1x1x1024x128xi32> to vector<1024x128xi32>
    %bitcast_convert_type3A_219 = tpu.bitcast %get3A_218 : vector<1024x128xi32> -> vector<1024x128xi32>
    %shift_left3A_220 = arith.constant 16 : i32
    %shift_left3A_221 = vector.broadcast %shift_left3A_220 : i32 to vector<1024x128xi32>
    %shift_left3A_222 = arith.shli %bitcast_convert_type3A_219, %shift_left3A_221 : vector<1024x128xi32>
    %bitcast_convert_type3A_223 = tpu.bitcast %shift_left3A_222 : vector<1024x128xi32> -> vector<1024x128xf32>
    %and3A_224 = arith.constant -65536 : i32
    %and3A_225 = vector.broadcast %and3A_224 : i32 to vector<1024x128xi32>
    %and3A_226 = arith.andi %bitcast_convert_type3A_219, %and3A_225 : vector<1024x128xi32>
    %bitcast_convert_type3A_227 = tpu.bitcast %and3A_226 : vector<1024x128xi32> -> vector<1024x128xf32>
    %concatenate3A_228 = tpu.concatenate %bitcast_convert_type3A_223, %bitcast_convert_type3A_227 in 1 : vector<1024x128xf32>, vector<1024x128xf32> -> vector<1024x256xf32>
    %add3A_229 = arith.addf %concatenate3A_228, %get3A_3 : vector<1024x256xf32>
    %ge3A_230 = arith.constant 0.000000e+00 : f32
    %ge3A_231 = vector.broadcast %ge3A_230 : f32 to vector<1024x256xf32>
    %ge3A_232 = arith.cmpf oge, %add3A_229, %ge3A_231 : vector<1024x256xf32>
    %mul3A_233 = arith.constant 2.000000e-01 : f32
    %mul3A_234 = vector.broadcast %mul3A_233 : f32 to vector<1024x256xf32>
    %mul3A_235 = arith.mulf %mul3A_234, %add3A_229 : vector<1024x256xf32>
    %select_n3A_236 = arith.select %ge3A_232, %add3A_229, %mul3A_235 : vector<1024x256xi1>, vector<1024x256xf32>
    %dot_general3A_237 = arith.constant dense<0.000000e+00> : vector<1024x192xf32>
    %dot_general3A_238 = tpu.matmul %select_n3A_236, %concatenate3A, %dot_general3A_237 {dimension_numbers = #tpu.dot_dimension_numbers<[1], [0], [0], [1], [0, 0, 1, 1], [], []>, transpose_lhs_hint = false} : vector<1024x256xf32>, vector<256x192xf32>, vector<1024x192xf32> -> vector<1024x192xf32>
    %max3A_239 = arith.maximumf %max3A_212, %dot_general3A_238 : vector<1024x192xf32>
    %get3A_240 = arith.constant 0 : index
    %get3A_241 = arith.constant 0 : index
    %get3A_242 = vector.load %arg6[%get3A_240, %get3A_241] : memref<192x192xf32, #tpu.memory_space<vmem>>, vector<192x192xf32>
    %dot_general3A_243 = arith.constant dense<0.000000e+00> : vector<1024x192xf32>
    %dot_general3A_244 = tpu.matmul %max3A_239, %get3A_242, %dot_general3A_243 {dimension_numbers = #tpu.dot_dimension_numbers<[1], [0], [0], [1], [0, 0, 1, 1], [], []>, transpose_lhs_hint = false} : vector<1024x192xf32>, vector<192x192xf32>, vector<1024x192xf32> -> vector<1024x192xf32>
    %get3A_245 = arith.constant 0 : index
    %get3A_246 = arith.constant 0 : index
    %get3A_247 = vector.load %arg7[%get3A_245, %get3A_246] : memref<1x192xf32, #tpu.memory_space<vmem>>, vector<1x192xf32>
    %add3A_248 = vector.broadcast %get3A_247 : vector<1x192xf32> to vector<1024x192xf32>
    %add3A_249 = arith.addf %dot_general3A_244, %add3A_248 : vector<1024x192xf32>
    %swap3A = arith.constant 0 : index
    %swap3A_250 = arith.constant 0 : index
    %swap3A_251 = arith.constant 0 : index
    %swap3A_252 = vector.load %arg8[%swap3A, %swap3A_250, %swap3A_251] : memref<1x1024x192xf32, #tpu.memory_space<vmem>>, vector<1x1024x192xf32>
    %swap3A_253 = vector.shape_cast %swap3A_252 : vector<1x1024x192xf32> to vector<1024x192xf32>
    %swap3A_254 = vector.shape_cast %add3A_249 : vector<1024x192xf32> to vector<1x1024x192xf32>
    tpu.vector_store %arg8[%swap3A, %swap3A_250, %swap3A_251], %swap3A_254 {strides = array<i32>} : memref<1x1024x192xf32, #tpu.memory_space<vmem>>, vector<1x1024x192xf32>,
    %eq3A = arith.constant 0 : i32
    %eq3A_255 = arith.cmpi eq, %arg0, %eq3A : i32
    %eq3A_256 = arith.constant 0 : i32
    %eq3A_257 = arith.cmpi eq, %arg1, %eq3A_256 : i32
    %and3A_258 = arith.andi %eq3A_255, %eq3A_257 : i1
    %reduce_sum3A = arith.constant dense<0.000000e+00> : vector<192xf32>
    %reduce_sum3A_259 = vector.multi_reduction <add>, %add3A_249, %reduce_sum3A [0] : vector<1024x192xf32> to vector<192xf32>
    %broadcast_in_dim3A_260 = vector.shape_cast %reduce_sum3A_259 : vector<192xf32> to vector<1x192xf32>
    %mul3A_261 = arith.mulf %add3A_249, %add3A_249 : vector<1024x192xf32>
    %reduce_sum3A_262 = arith.constant dense<0.000000e+00> : vector<192xf32>
    %reduce_sum3A_263 = vector.multi_reduction <add>, %mul3A_261, %reduce_sum3A_262 [0] : vector<1024x192xf32> to vector<192xf32>
    %broadcast_in_dim3A_264 = vector.shape_cast %reduce_sum3A_263 : vector<192xf32> to vector<1x192xf32>
    %broadcast_in_dim3A_265 = arith.constant 0.000000e+00 : f32
    %broadcast_in_dim3A_266 = vector.broadcast %broadcast_in_dim3A_265 : f32 to vector<6x192xf32>
    %concatenate3A_267 = tpu.concatenate %broadcast_in_dim3A_260, %broadcast_in_dim3A_264, %broadcast_in_dim3A_266 in 0 : vector<1x192xf32>, vector<1x192xf32>, vector<6x192xf32> -> vector<8x192xf32>
    %convert_element_type3A = arith.extui %and3A_258 : i1 to i32
    %cond3A = arith.constant 0 : i32
    %cond3A_268 = arith.cmpi ne, %convert_element_type3A, %cond3A : i32
    scf.if %cond3A_268 {
      %swap3A_273 = arith.constant 0 : index
      %swap3A_274 = arith.constant 0 : index
      %swap3A_275 = vector.load %arg9[%swap3A_273, %swap3A_274] : memref<8x192xf32, #tpu.memory_space<vmem>>, vector<8x192xf32>
      tpu.vector_store %arg9[%swap3A_273, %swap3A_274], %concatenate3A_267 {strides = array<i32>} : memref<8x192xf32, #tpu.memory_space<vmem>>, vector<8x192xf32>,
    } else {
    }
    %not3A = arith.constant true
    %not3A_269 = arith.xori %and3A_258, %not3A : i1
    %convert_element_type3A_270 = arith.extui %not3A_269 : i1 to i32
    %cond3A_271 = arith.constant 0 : i32
    %cond3A_272 = arith.cmpi ne, %convert_element_type3A_270, %cond3A_271 : i32
    scf.if %cond3A_272 {
      %get3A_273 = arith.constant 0 : index
      %get3A_274 = arith.constant 0 : index
      %get3A_275 = vector.load %arg9[%get3A_273, %get3A_274] : memref<8x192xf32, #tpu.memory_space<vmem>>, vector<8x192xf32>
      %add3A_276 = arith.addf %get3A_275, %concatenate3A_267 : vector<8x192xf32>
      %swap3A_277 = arith.constant 0 : index
      %swap3A_278 = arith.constant 0 : index
      %swap3A_279 = vector.load %arg9[%swap3A_277, %swap3A_278] : memref<8x192xf32, #tpu.memory_space<vmem>>, vector<8x192xf32>
      tpu.vector_store %arg9[%swap3A_277, %swap3A_278], %add3A_276 {strides = array<i32>} : memref<8x192xf32, #tpu.memory_space<vmem>>, vector<8x192xf32>,
    } else {
    }
    return
  }
  func.func @transform_0(%arg0: i32, %arg1: i32) -> (i32, i32, i32, i32) {
    %c0_i32 = arith.constant 0 : i32
    %c0_i32_0 = arith.constant 0 : i32
    %c0_i32_1 = arith.constant 0 : i32
    return %arg0, %c0_i32, %arg1, %c0_i32_0 : i32, i32, i32, i32
  }
  func.func @transform_1(%arg0: i32, %arg1: i32) -> (i32, i32, i32) {
    %add3A = arith.constant 4 : i32
    %add3A_0 = arith.addi %arg0, %add3A : i32
    %c0_i32 = arith.constant 0 : i32
    %c0_i32_1 = arith.constant 0 : i32
    return %add3A_0, %arg1, %c0_i32 : i32, i32, i32
  }
  func.func @transform_2(%arg0: i32, %arg1: i32) -> (i32, i32, i32) {
    %add3A = arith.constant 4 : i32
    %add3A_0 = arith.addi %arg0, %add3A : i32
    %c0_i32 = arith.constant 0 : i32
    %c0_i32_1 = arith.constant 0 : i32
    return %add3A_0, %arg1, %c0_i32 : i32, i32, i32
  }
  func.func @transform_3(%arg0: i32, %arg1: i32) -> (i32, i32) {
    %c0_i32 = arith.constant 0 : i32
    %c0_i32_0 = arith.constant 0 : i32
    %c0_i32_1 = arith.constant 0 : i32
    return %c0_i32, %c0_i32_0 : i32, i32
  }
  func.func @transform_4(%arg0: i32, %arg1: i32) -> (i32, i32) {
    %c0_i32 = arith.constant 0 : i32
    %c0_i32_0 = arith.constant 0 : i32
    %c0_i32_1 = arith.constant 0 : i32
    return %c0_i32, %c0_i32_0 : i32, i32
  }
  func.func @transform_5(%arg0: i32, %arg1: i32) -> (i32, i32) {
    %c0_i32 = arith.constant 0 : i32
    %c0_i32_0 = arith.constant 0 : i32
    %c0_i32_1 = arith.constant 0 : i32
    return %c0_i32, %c0_i32_0 : i32, i32
  }
  func.func @transform_6(%arg0: i32, %arg1: i32) -> (i32, i32, i32) {
    %c0_i32 = arith.constant 0 : i32
    %c0_i32_0 = arith.constant 0 : i32
    return %arg0, %arg1, %c0_i32 : i32, i32, i32
  }
  func.func @transform_7(%arg0: i32, %arg1: i32) -> (i32, i32) {
    %c0_i32 = arith.constant 0 : i32
    %c0_i32_0 = arith.constant 0 : i32
    %c0_i32_1 = arith.constant 0 : i32
    return %c0_i32, %c0_i32_0 : i32, i32
  }
}

module attributes {stable_mosaic.version = 14 : i64} {
  func.func @_k6(%arg0: i32, %arg1: i32, %arg2: memref<1x1024x192xf32, #tpu.memory_space<vmem>>, %arg3: memref<1x1024x192xf32, #tpu.memory_space<vmem>>, %arg4: memref<8x192xf32, #tpu.memory_space<vmem>>, %arg5: memref<8x192xf32, #tpu.memory_space<vmem>>, %arg6: memref<1x192xf32, #tpu.memory_space<vmem>>, %arg7: memref<1x192xf32, #tpu.memory_space<vmem>>, %arg8: memref<1x1024x192xf32, #tpu.memory_space<vmem>>, %arg9: memref<1x1024x192xf32, #tpu.memory_space<vmem>>) attributes {dimension_semantics = [#tpu.dimension_semantics<arbitrary>, #tpu.dimension_semantics<arbitrary>], iteration_bounds = array<i64: 8, 1>, scalar_prefetch = 0 : i64, scratch_operands = 0 : i64, tpu.core_type = #tpu.core_type<tc>, window_params = [{transform_indices = @transform_0, window_bounds = array<i64: 1, 1024, 192>}, {transform_indices = @transform_1, window_bounds = array<i64: 1, 1024, 192>}, {pipeline_mode = #tpu.pipeline_mode<synchronous>, transform_indices = @transform_2, window_bounds = array<i64: 8, 192>}, {pipeline_mode = #tpu.pipeline_mode<synchronous>, transform_indices = @transform_3, window_bounds = array<i64: 8, 192>}, {pipeline_mode = #tpu.pipeline_mode<synchronous>, transform_indices = @transform_4, window_bounds = array<i64: 1, 192>}, {pipeline_mode = #tpu.pipeline_mode<synchronous>, transform_indices = @transform_5, window_bounds = array<i64: 1, 192>}, {transform_indices = @transform_6, window_bounds = array<i64: 1, 1024, 192>}, {transform_indices = @transform_7, window_bounds = array<i64: 1, 1024, 192>}]} {
    %lt3A = arith.constant 4 : i32
    %lt3A_0 = arith.cmpi slt, %arg0, %lt3A : i32
    %get3A = arith.constant 0 : index
    %get3A_1 = arith.constant 0 : index
    %get3A_2 = arith.constant 0 : index
    %get3A_3 = vector.load %arg2[%get3A, %get3A_1, %get3A_2] : memref<1x1024x192xf32, #tpu.memory_space<vmem>>, vector<1x1024x192xf32>
    %get3A_4 = vector.shape_cast %get3A_3 : vector<1x1024x192xf32> to vector<1024x192xf32>
    %get3A_5 = arith.constant 0 : index
    %get3A_6 = arith.constant 0 : index
    %get3A_7 = arith.constant 0 : index
    %get3A_8 = vector.load %arg3[%get3A_5, %get3A_6, %get3A_7] : memref<1x1024x192xf32, #tpu.memory_space<vmem>>, vector<1x1024x192xf32>
    %get3A_9 = vector.shape_cast %get3A_8 : vector<1x1024x192xf32> to vector<1024x192xf32>
    %select_n3A = arith.select %lt3A_0, %get3A_4, %get3A_9 : vector<1024x192xf32>
    %get3A_10 = arith.constant 0 : index
    %get3A_11 = arith.constant 0 : index
    %get3A_12 = vector.load %arg4[%get3A_10, %get3A_11] : memref<8x192xf32, #tpu.memory_space<vmem>>, vector<8x192xf32>
    %get3A_13 = arith.constant 0 : index
    %get3A_14 = arith.constant 0 : index
    %get3A_15 = vector.load %arg5[%get3A_13, %get3A_14] : memref<8x192xf32, #tpu.memory_space<vmem>>, vector<8x192xf32>
    %add3A = arith.addf %get3A_12, %get3A_15 : vector<8x192xf32>
    %slice3A = vector.extract_strided_slice %add3A {offsets = [0, 0], sizes = [1, 192], strides = [1, 1]} : vector<8x192xf32> to vector<1x192xf32>
    %mul3A = arith.constant 1.22070313E-4 : f32
    %mul3A_16 = vector.broadcast %mul3A : f32 to vector<1x192xf32>
    %mul3A_17 = arith.mulf %slice3A, %mul3A_16 : vector<1x192xf32>
    %slice3A_18 = vector.extract_strided_slice %add3A {offsets = [1, 0], sizes = [1, 192], strides = [1, 1]} : vector<8x192xf32> to vector<1x192xf32>
    %mul3A_19 = arith.constant 1.22070313E-4 : f32
    %mul3A_20 = vector.broadcast %mul3A_19 : f32 to vector<1x192xf32>
    %mul3A_21 = arith.mulf %slice3A_18, %mul3A_20 : vector<1x192xf32>
    %mul3A_22 = arith.mulf %mul3A_17, %mul3A_17 : vector<1x192xf32>
    %sub3A = arith.subf %mul3A_21, %mul3A_22 : vector<1x192xf32>
    %add3A_23 = arith.constant 9.99999974E-6 : f32
    %add3A_24 = vector.broadcast %add3A_23 : f32 to vector<1x192xf32>
    %add3A_25 = arith.addf %sub3A, %add3A_24 : vector<1x192xf32>
    %sqrt3A = math.sqrt %add3A_25 : vector<1x192xf32>
    %div3A = arith.constant 1.000000e+00 : f32
    %div3A_26 = vector.broadcast %div3A : f32 to vector<1x192xf32>
    %div3A_27 = arith.divf %div3A_26, %sqrt3A : vector<1x192xf32>
    %sub3A_28 = vector.broadcast %mul3A_17 : vector<1x192xf32> to vector<1024x192xf32>
    %sub3A_29 = arith.subf %select_n3A, %sub3A_28 : vector<1024x192xf32>
    %mul3A_30 = vector.broadcast %div3A_27 : vector<1x192xf32> to vector<1024x192xf32>
    %mul3A_31 = arith.mulf %sub3A_29, %mul3A_30 : vector<1024x192xf32>
    %get3A_32 = arith.constant 0 : index
    %get3A_33 = arith.constant 0 : index
    %get3A_34 = vector.load %arg6[%get3A_32, %get3A_33] : memref<1x192xf32, #tpu.memory_space<vmem>>, vector<1x192xf32>
    %mul3A_35 = vector.broadcast %get3A_34 : vector<1x192xf32> to vector<1024x192xf32>
    %mul3A_36 = arith.mulf %mul3A_31, %mul3A_35 : vector<1024x192xf32>
    %get3A_37 = arith.constant 0 : index
    %get3A_38 = arith.constant 0 : index
    %get3A_39 = vector.load %arg7[%get3A_37, %get3A_38] : memref<1x192xf32, #tpu.memory_space<vmem>>, vector<1x192xf32>
    %add3A_40 = vector.broadcast %get3A_39 : vector<1x192xf32> to vector<1024x192xf32>
    %add3A_41 = arith.addf %mul3A_36, %add3A_40 : vector<1024x192xf32>
    %get3A_42 = arith.constant 0 : index
    %get3A_43 = arith.constant 0 : index
    %get3A_44 = arith.constant 0 : index
    %get3A_45 = vector.load %arg8[%get3A_42, %get3A_43, %get3A_44] : memref<1x1024x192xf32, #tpu.memory_space<vmem>>, vector<1x1024x192xf32>
    %get3A_46 = vector.shape_cast %get3A_45 : vector<1x1024x192xf32> to vector<1024x192xf32>
    %add3A_47 = arith.addf %add3A_41, %get3A_46 : vector<1024x192xf32>
    %max3A = arith.constant 0.000000e+00 : f32
    %max3A_48 = vector.broadcast %max3A : f32 to vector<1024x192xf32>
    %max3A_49 = arith.maximumf %add3A_47, %max3A_48 : vector<1024x192xf32>
    %swap3A = arith.constant 0 : index
    %swap3A_50 = arith.constant 0 : index
    %swap3A_51 = arith.constant 0 : index
    %swap3A_52 = vector.load %arg9[%swap3A, %swap3A_50, %swap3A_51] : memref<1x1024x192xf32, #tpu.memory_space<vmem>>, vector<1x1024x192xf32>
    %swap3A_53 = vector.shape_cast %swap3A_52 : vector<1x1024x192xf32> to vector<1024x192xf32>
    %swap3A_54 = vector.shape_cast %max3A_49 : vector<1024x192xf32> to vector<1x1024x192xf32>
    tpu.vector_store %arg9[%swap3A, %swap3A_50, %swap3A_51], %swap3A_54 {strides = array<i32>} : memref<1x1024x192xf32, #tpu.memory_space<vmem>>, vector<1x1024x192xf32>,
    return
  }
  func.func @transform_0(%arg0: i32, %arg1: i32) -> (i32, i32, i32) {
    %jit3A = arith.constant 4 : i32
    %eq3A = arith.constant 0 : i32
    %eq3A_0 = arith.cmpi eq, %jit3A, %eq3A : i32
    %jit3A_1 = arith.constant 1 : i32
    %select_n3A = arith.select %eq3A_0, %jit3A_1, %jit3A : i32
    %rem3A = arith.remsi %arg0, %select_n3A : i32
    %ne3A = arith.constant 0 : i32
    %ne3A_2 = arith.cmpi ne, %rem3A, %ne3A : i32
    %lt3A = arith.constant 0 : i32
    %lt3A_3 = arith.cmpi slt, %rem3A, %lt3A : i32
    %lt3A_4 = arith.constant 0 : i32
    %lt3A_5 = arith.cmpi slt, %select_n3A, %lt3A_4 : i32
    %ne3A_6 = arith.xori %lt3A_3, %lt3A_5 : i1
    %and3A = arith.andi %ne3A_6, %ne3A_2 : i1
    %add3A = arith.addi %rem3A, %select_n3A : i32
    %select_n3A_7 = arith.select %and3A, %add3A, %rem3A : i32
    %c0_i32 = arith.constant 0 : i32
    %c0_i32_8 = arith.constant 0 : i32
    return %select_n3A_7, %arg1, %c0_i32 : i32, i32, i32
  }
  func.func @transform_1(%arg0: i32, %arg1: i32) -> (i32, i32, i32) {
    %jit3A = arith.constant 4 : i32
    %eq3A = arith.constant 0 : i32
    %eq3A_0 = arith.cmpi eq, %jit3A, %eq3A : i32
    %jit3A_1 = arith.constant 1 : i32
    %select_n3A = arith.select %eq3A_0, %jit3A_1, %jit3A : i32
    %rem3A = arith.remsi %arg0, %select_n3A : i32
    %ne3A = arith.constant 0 : i32
    %ne3A_2 = arith.cmpi ne, %rem3A, %ne3A : i32
    %lt3A = arith.constant 0 : i32
    %lt3A_3 = arith.cmpi slt, %rem3A, %lt3A : i32
    %lt3A_4 = arith.constant 0 : i32
    %lt3A_5 = arith.cmpi slt, %select_n3A, %lt3A_4 : i32
    %ne3A_6 = arith.xori %lt3A_3, %lt3A_5 : i1
    %and3A = arith.andi %ne3A_6, %ne3A_2 : i1
    %add3A = arith.addi %rem3A, %select_n3A : i32
    %select_n3A_7 = arith.select %and3A, %add3A, %rem3A : i32
    %c0_i32 = arith.constant 0 : i32
    %c0_i32_8 = arith.constant 0 : i32
    return %select_n3A_7, %arg1, %c0_i32 : i32, i32, i32
  }
  func.func @transform_2(%arg0: i32, %arg1: i32) -> (i32, i32) {
    %c0_i32 = arith.constant 0 : i32
    %c0_i32_0 = arith.constant 0 : i32
    %c0_i32_1 = arith.constant 0 : i32
    return %c0_i32, %c0_i32_0 : i32, i32
  }
  func.func @transform_3(%arg0: i32, %arg1: i32) -> (i32, i32) {
    %c0_i32 = arith.constant 0 : i32
    %c0_i32_0 = arith.constant 0 : i32
    %c0_i32_1 = arith.constant 0 : i32
    return %c0_i32, %c0_i32_0 : i32, i32
  }
  func.func @transform_4(%arg0: i32, %arg1: i32) -> (i32, i32) {
    %c0_i32 = arith.constant 0 : i32
    %c0_i32_0 = arith.constant 0 : i32
    %c0_i32_1 = arith.constant 0 : i32
    return %c0_i32, %c0_i32_0 : i32, i32
  }
  func.func @transform_5(%arg0: i32, %arg1: i32) -> (i32, i32) {
    %c0_i32 = arith.constant 0 : i32
    %c0_i32_0 = arith.constant 0 : i32
    %c0_i32_1 = arith.constant 0 : i32
    return %c0_i32, %c0_i32_0 : i32, i32
  }
  func.func @transform_6(%arg0: i32, %arg1: i32) -> (i32, i32, i32) {
    %c0_i32 = arith.constant 0 : i32
    %c0_i32_0 = arith.constant 0 : i32
    return %arg0, %arg1, %c0_i32 : i32, i32, i32
  }
  func.func @transform_7(%arg0: i32, %arg1: i32) -> (i32, i32, i32) {
    %c0_i32 = arith.constant 0 : i32
    %c0_i32_0 = arith.constant 0 : i32
    return %arg0, %arg1, %c0_i32 : i32, i32, i32
  }
}

</mosaic_0001>

<sc_bundles>
// kernel: kernel.11.cloned.1.call-start
scs
__scs_entry_jumppad:
0x0: {  	(pc) =	sbr.rel $0x88, $3  }
0x1: {  	(tag) =	ssettag $0x0;
	lr =	simm.s32 $0x1  }
0x2: {  	[smem:$0x3F94] =	sst lr;
	_ =	strace $0xD0000000  }
0x3: {  	_ = 	snop  }
0x4: {  	_ = 	snop  }
0x5: {  	_ = 	snop  }
0x6: {  	_ = 	snop  }
0x7: {  	_ = 	snop  }
__scs_overlays_trampoline_lowered:
0x8: {  	[smem:$0x3FA3] =	sst s0  }
0x9: {  	[smem:$0x3FA4] =	sst s1  }
0xa: {  	[smem:$0x3FA5] =	sst s2  }
0xb: {  	[smem:$0x3FA6] =	sst s3  }
0xc: {  	[smem:$0x3FA7] =	sst s4  }
0xd: {  	[smem:$0x3FA8] =	sst s5  }
0xe: {  	[smem:$0x3FA9] =	sst s6  }
0xf: {  	[smem:$0x3FAA] =	sst s7  }
0x10: {  	[smem:$0x3FAB] =	sst s8  }
0x11: {  	[smem:$0x3FAC] =	sst s9;
	s0 =	simm.s32 @!p0 $0x0  }
0x12: {  	s1 =	sld [smem:$0x3F92];
	s0 =	simm.s32 @p0 $0x1  }
0x13: {  	[smem:$0x3FAD] =	sst s0;
	s0 =	simm.s32 @!p1 $0x0  }
0x14: {  	s2 =	sld [smem:$0x3F91];
	s0 =	simm.s32 @p1 $0x1  }
0x15: {  	[smem:$0x3FAE] =	sst s0;
	s0 =	simm.s32 @!p2 $0x0  }
0x16: {  	s3 =	sld [smem:$0x3FDB];
	s0 =	simm.s32 @p2 $0x1  }
0x17: {  	s4 =	simm.s32 $0x1BF5;
	[smem:$0x3FB0] =	sst s0  }
0x18: {  	s0 =	sld [smem:$0x3F93];
	_ =	swait.ge [sflag:s4], $0x0  }
0x19: {  	s7 =	sld [smem:$0x3F94]  }
0x1a: {  	s8 =	sadd.s32 $0xFFFFE003, lr  }
0x1b: {  	s9 =	sadd.s32 $0xFFFFFEF7, lr;
	s5 =	simm.s32 $0xFFFFFFFF;
	p2 =	slt.u32 s8, $0xFFFFF086  }
0x1c: {  	p1 =	slt.u32 s9, $0xF7A;
	s5 =	simm.s32 @!p2 $0x0  }
0x1d: {  	s5 =	simm.s32 @p1 $0x1;
	p0 =	seq.s32 s7, s2  }
0x1e: {  	s7 =	smul.u32 @!p0 $0xF7A, s2;
	p2 =	seq.s32 @!p0 s5, $0x0  }
0x1f: {  	s9 =	smul.u32 $0xF7A, s1;
	s8 =	simm.s32 @!p0 $0x1BF5;
	p2 =	por !p2, p0  }
0x20: {  	[sflag:s8] =	ssyncset.s32 @!p0 $0xFFFFF086;
	s6 =	sadd.s32 @!p0 s3, s7;
	s7 =	simm.s32 @!p0 $0x108  }
0x21: {  	s3 =	sadd.s32 s3, s9;
	s6 =	sadd.s32 @!p0 $0x88, s6;
	s7 =	simm.s32 @p2 $0x1082  }
0x22: {  	[simem:s7], [sflag:s8] =	dma.local @!p0 [hbm:s6], $0xF7A  }
0x23: {  	s9 =	sor.u32 $0xD0000000, s2;
	s6 =	simm.s32 $0x108;
	_ =	swait.ge @!p0 [sflag:s8], $0x0  }
0x24: {  	s3 =	sadd.s32 $0x88, s3;
	s6 =	simm.s32 @!p1 $0x1082;
	[sflag:s4] =	ssyncset.s32 $0xFFFFF086  }
0x25: {  	[simem:s6], [sflag:s4] =	dma.local [hbm:s3], $0xF7A  }
0x26: {  	[smem:$0x3F94] =	sst s1;
	(tag) =	ssettag s2;
	_ =	strace s9  }
0x27: {  	s1 =	sld [smem:$0x3FA4]  }
0x28: {  	s2 =	sld [smem:$0x3FA5]  }
0x29: {  	s4 =	sld [smem:$0x3FA7]  }
0x2a: {  	p0 =	seq.s32 s5, $0x0;
	s5 =	sld [smem:$0x3FA8]  }
0x2b: {  	s6 =	sld [smem:$0x3FA9]  }
0x2c: {  	s7 =	sld [smem:$0x3FAA]  }
0x2d: {  	s3 =	simm.s32 $0x108;
	s8 =	sld [smem:$0x3FAB]  }
0x2e: {  	s3 =	simm.s32 @!p0 $0x1082;
	s9 =	sld [smem:$0x3FAC]  }
0x2f: {  	lr =	sadd.s32 s0, s3;
	s0 =	sld [smem:$0x3FA3]  }
0x30: {  	s3 =	sld [smem:$0x3FA6]  }
0x31: {  	[smem:$0x3FAF] =	sst s10  }
0x32: {  	s10 =	sld [smem:$0x3FAD];
	_ =	sdelay $0x3  }
0x33: {  	p0 =	seq.s32 s10, $0x1;
	s10 =	sld [smem:$0x3FAF];
	_ =	sdelay $0x3  }
0x34: {  	[smem:$0x3FAF] =	sst s10  }
0x35: {  	s10 =	sld [smem:$0x3FAE];
	_ =	sdelay $0x3  }
0x36: {  	p1 =	seq.s32 s10, $0x1;
	s10 =	sld [smem:$0x3FAF];
	_ =	sdelay $0x3  }
0x37: {  	[smem:$0x3FAF] =	sst s10  }
0x38: {  	s10 =	sld [smem:$0x3FB0]  }
0x39: {  	_ = 	snop;
	(pc) =	sbr.ind lr, $3  }
0x3a: {  	_ = 	snop  }
0x3b: {  	_ = 	snop  }
0x3c: {  	p2 =	seq.s32 s10, $0x1;
	s10 =	sld [smem:$0x3FAF]  }
0x3d: {  	_ =	shalt  }
0x3e: {  	_ =	shalt  }
0x3f: {  	_ =	shalt  }
0x40: {  	_ =	shalt  }
0x41: {  	_ =	shalt  }
0x42: {  	_ =	shalt  }
0x43: {  	_ =	shalt  }
0x44: {  	_ =	shalt  }
0x45: {  	_ =	shalt  }
0x46: {  	_ =	shalt  }
0x47: {  	_ =	shalt  }
0x48: {  	_ =	shalt  }
0x49: {  	_ =	shalt  }
0x4a: {  	_ =	shalt  }
0x4b: {  	_ =	shalt  }
0x4c: {  	_ =	shalt  }
0x4d: {  	_ =	shalt  }
0x4e: {  	_ =	shalt  }
0x4f: {  	_ =	shalt  }
0x50: {  	_ =	shalt  }
0x51: {  	_ =	shalt  }
0x52: {  	_ =	shalt  }
0x53: {  	_ =	shalt  }
0x54: {  	_ =	shalt  }
0x55: {  	_ =	shalt  }
0x56: {  	_ =	shalt  }
0x57: {  	_ =	shalt  }
0x58: {  	_ =	shalt  }
0x59: {  	_ =	shalt  }
0x5a: {  	_ =	shalt  }
0x5b: {  	_ =	shalt  }
0x5c: {  	_ =	shalt  }
0x5d: {  	_ =	shalt  }
0x5e: {  	_ =	shalt  }
0x5f: {  	_ =	shalt  }
0x60: {  	_ =	shalt  }
0x61: {  	_ =	shalt  }
0x62: {  	_ =	shalt  }
0x63: {  	_ =	shalt  }
0x64: {  	_ =	shalt  }
0x65: {  	_ =	shalt  }
0x66: {  	_ =	shalt  }
0x67: {  	_ =	shalt  }
0x68: {  	_ =	shalt  }
0x69: {  	_ =	shalt  }
0x6a: {  	_ =	shalt  }
0x6b: {  	_ =	shalt  }
0x6c: {  	_ =	shalt  }
0x6d: {  	_ =	shalt  }
0x6e: {  	_ =	shalt  }
0x6f: {  	_ =	shalt  }
0x70: {  	_ =	shalt  }
0x71: {  	_ =	shalt  }
0x72: {  	_ =	shalt  }
0x73: {  	_ =	shalt  }
0x74: {  	_ =	shalt  }
0x75: {  	_ =	shalt  }
0x76: {  	_ =	shalt  }
0x77: {  	_ =	shalt  }
0x78: {  	_ =	shalt  }
0x79: {  	_ =	shalt  }
0x7a: {  	_ =	shalt  }
0x7b: {  	_ =	shalt  }
0x7c: {  	_ =	shalt  }
0x7d: {  	_ =	shalt  }
0x7e: {  	_ =	shalt  }
0x7f: {  	_ =	shalt  }
0x80: {  	_ =	shalt  }
0x81: {  	_ =	shalt  }
0x82: {  	_ =	shalt  }
0x83: {  	_ =	shalt  }
0x84: {  	_ =	shalt  }
0x85: {  	_ =	shalt  }
0x86: {  	_ =	shalt  }
0x87: {  	_ =	shalt  }
.Lfunc_end0:
.L_simem_size_0:
called_computation_lowered:
.L_overlay_start_0:
0x88: {  	s2 =	sld [smem:$0x3FD9]  }
0x89: {  	s3 =	sld [smem:$0x3FFE];
	_ =	sdelay $0x1  }
0x8a: {  	s1 =	srdreg.scid  }
0x8b: {  	s0 =	sand.u32 $0x1, s1  }
0x8c: {  	s16 =	sshll.u32 s0, $0xA;
	s2 =	sadd.s32 s3, s2  }
0x8d: {  	s2 =	sadd.s32 s2, s16  }
0x8e: {  	[smem:$0x3FBB] =	sst s2  }
0x8f: {  	_ = 	snop  }
0x90: {  	(tm) =	ssettm $0x1  }
0x91: {  	s17 =	sld [smem:$0x3FFB];
	_ =	sdelay $0x3  }
0x92: {  	_ =	strace s17  }
0x93: {  	s2 =	sld [smem:$0x3FFC];
	_ =	sdelay $0x3  }
0x94: {  	_ =	strace s2  }
0x95: {  	s2 =	sld [smem:$0x3FFD];
	_ =	sdelay $0x3  }
0x96: {  	_ =	strace s2  }
0x97: {  	_ =	strace $0x8FFFFFFF  }
0x98: {  	s18 =	sld [smem:$0x3FDB];
	_ =	sdelay $0x1  }
0x99: {  	s19 =	simm.s32 $_scs_section_size  }
0x9a: {  	s4 =	simm.s32 $_size__tile_overlayer_lowered;
	s5 =	simm.s32 $_tile_overlayer_lowered  }
0x9b: {  	s22 =	simm.s32 $0x1BFF;
	s21 =	sshll.u32 s5, $0x1;
	s2 =	sadd.s32 s19, s18  }
0x9c: {  	s6 =	simm.s32 $0x0;
	s20 =	sshll.u32 s4, $0x1;
	s4 =	sadd.s32 s21, s2  }
0x9d: {  	[timem:s6], [sflag:s22] =	dma.local [hbm:s4], s20  }
0x9e: {  	_ =	swait.ge [sflag:s22], s20  }
0x9f: {  	s3 =	ssub.s32 $0x0, s20;
	[sflag:s22] =	ssyncset.done $0x0  }
0xa0: {  	[sflag:s22] =	ssyncadd.s32 s3;
	_ =	sdelay $0x1  }
0xa1: {  	s23 =	simm.s32 $0x1B8B  }
0xa2: {  	_ =	swait.ge [sflag:s23], $0x1  }
0xa3: {  	[sflag:s23] =	ssyncset.done $0x0  }
0xa4: {  	s25 =	simm.s32 $0x1B8E;
	s24 =	sld [smem:$0x3FFE];
	[sflag:s23] =	ssyncadd.s32 $0xFFFFFFFF  }
0xa5: {  	s26 =	simm.s32 $execute0_lowered;
	[smem:$0x3FD2] =	sst s25  }
0xa6: {  	s4 =	sshll.u32 s26, $0x1;
	_ =	strace $0x80000046;
	[dreg:$0x1] =	wrdreg $0xFFFFFFFF  }
0xa7: {  	s28 =	simm.s32 $_size_execute0_lowered;
	s2 =	sadd.s32 s2, s4;
	[dreg:$0x0] =	wrdreg $0x0  }
0xa8: {  	s4 =	sshll.u32 s28, $0x1;
	[dreg:$0x2] =	wrdreg s2  }
0xa9: {  	[dreg:$0x3] =	wrdreg s4  }
0xaa: {  	[dreg:$0x4] =	wrdreg $0xC0  }
0xab: {  	_ =	task [dreg:s6], $0x5FFFF  }
0xac: {  	[dreg:$0x1] =	wrdreg $0xFFFFFFFF  }
0xad: {  	[dreg:$0x0] =	wrdreg $0x60  }
0xae: {  	[dreg:$0x2] =	wrdreg s24  }
0xaf: {  	[dreg:$0x3] =	wrdreg $0x9  }
0xb0: {  	_ =	task.clear_ibuf [dreg:s6], $0x4FFFF;
	_ =	strace $0x90000046  }
0xb1: {  	s29 =	simm.s32 $0x9;
	_ =	strace $0x80000048  }
0xb2: {  	_ =	swait.ge [sflag:s29], $0x1  }
0xb3: {  	[sflag:s29] =	ssyncadd.s32 $0xFFFFFFFF  }
0xb4: {  	_ =	strace $0x90000048  }
0xb5: {  	_ =	sfence  }
0xb6: {  	s30 =	sld [smem:$0x0];
	_ =	sdelay $0x2  }
0xb7: {  	s31 =	sshll.u32 s1, $0xD;
	s1 =	sshrl.u32 s1, $0x2  }
0xb8: {  	s3 =	sand.u32 $0x4000, s31;
	s1 =	sadd.s32 s1, s30  }
0xb9: {  	s0 =	sor.u32 s3, s0;
	s1 =	sshll.u32 s1, $0x11  }
0xba: {  	s0 =	sor.u32 s1, s0  }
0xbb: {  	s0 =	sadd.s32 $0x8F2B, s0  }
0xbc: {  	[sflag:s0] =	ssyncadd.remote.s32 $0x1  }
0xbd: {  	_ =	sfence.sel $0xFFFF  }
0xbe: {  	[dreg:$0x0] =	wrdreg $0xFFFFFFFF;
	(pc) =	sbr.abs _section_cstart, $3  }
0xbf: {  	[dreg:$0x1] =	wrdreg $0xFFFFFFFF  }
0xc0: {  	_ =	task.clear_ibuf [dreg:s6], $0x2FFFF;
	_ =	strace $0x9FFFFFFF  }
0xc1: {  	(tm) =	ssettm $0x7FFFFFFF  }
tec
execute0_lowered:
.L_overlay_start_1:
0x0: {  	(tag) =	ssettag $0x1  }
0x1: {  	s0 =	stileid.u32;
	s1 =	srdreg.scid  }
0x2: {  	s11 =	rddreg [dreg:$0x0];
	s17 =	sand.u32 $0x1, s1;
	s30 =	sshll.u32 s0, $0x1  }
0x3: {  	s6 =	simm.s32 $0x400;
	s2 =	sshll.u32 s0, $0x8;
	s12 =	sor.u32 s17, s30  }
0x4: {  	s1 =	rddreg [dreg:$0x1];
	s3 =	sand.u32 $0xC00, s2;
	s4 =	sshll.u32 s12, $0x4  }
0x5: {  	s2 =	simm.s32 $0x0;
	s3 =	sadd.s32 s3, s11;
	s4 =	sand.u32 $0x70, s4  }
0x6: {  	s5 =	simm.s32 $0x3;
	[smem:$0x7FF] =	sst s2;
	s3 =	sadd.s32 s4, s3  }
0x7: {  	_ =	strace $0x80000047;
	s4 =	simm.s32 $0x80;
	s3 =	sadd.s32 $0x24800, s3  }
0x8: {  	[tilespmem:s2], [sflag:$0x3] =	stream.strided.gather [hbm4b:s3+s4], $0x400, s6, s4, $0x38;
	[tilespmem:$0x10400] =	vst v63  }
0x9: {  	_ =	swait.ge [sflag:s5], $0x400  }
0xa: {  	[sflag:s5] =	ssyncset.done $0x0  }
0xb: {  	s8 =	simm.s32 $0x100;
	s7 =	sadd.s32 $0x4800, s11;
	[sflag:s5] =	ssyncadd.s32 $0xFFFFFC00  }
0xc: {  	[tilespmem:s6], [sflag:$0x1] =	stream.indirect.gather [hbm4b:s7+s8], $0x80, s2, s8, $0xb8;
	[tilespmem:$0x10400] =	vst v63  }
0xd: {  	s9 =	simm.s32 $0x8400;
	s10 =	simm.s32 $0x1  }
0xe: {  	[tilespmem:s9], [sflag:$0x2] =	stream.indirect.gather [hbm4b:s7+s8], $0x80, s8, s8, $0xb8;
	[tilespmem:$0x10400] =	vst v63  }
0xf: {  	s12 =	sshll.u32 s12, $0xE;
	_ =	swait.ge [sflag:s10], $0x8000  }
0x10: {  	s18 =	sadd.s32 s12, s11;
	[sflag:s10] =	ssyncset.done $0x0  }
0x11: {  	s11 =	sadd.s32 $0x25800, s18;
	[sflag:s10] =	ssyncadd.s32 $0xFFFF8000  }
0x12: {  	[hbm4b:s11+s2] =	stream.linear.scatter [tilespmem:s6], [sflag:$0x3], $0x8000, $0x38;
	[tilespmem:$0x10400] =	vst v63  }
0x13: {  	_ =	swait.ge [sflag:s5], $0x8000  }
0x14: {  	[sflag:s5] =	ssyncset.done $0x0  }
0x15: {  	s13 =	simm.s32 $0x2;
	s12 =	simm.s32 $0x200;
	[sflag:s5] =	ssyncadd.s32 $0xFFFF8000  }
0x16: {  	[tilespmem:s6], [sflag:$0x1] =	stream.indirect.gather [hbm4b:s7+s8], $0x80, s12, s8, $0xb8;
	[tilespmem:$0x10400] =	vst v63  }
0x17: {  	_ =	swait.ge [sflag:s13], $0x8000  }
0x18: {  	[sflag:s13] =	ssyncset.done $0x0  }
0x19: {  	s14 =	sadd.s32 $0x26800, s18;
	[sflag:s13] =	ssyncadd.s32 $0xFFFF8000  }
0x1a: {  	[hbm4b:s14+s2] =	stream.linear.scatter [tilespmem:s9], [sflag:$0x3], $0x8000, $0x38;
	[tilespmem:$0x10400] =	vst v63  }
0x1b: {  	_ =	swait.ge [sflag:s5], $0x8000  }
0x1c: {  	[sflag:s5] =	ssyncset.done $0x0  }
0x1d: {  	s15 =	simm.s32 $0x300;
	[sflag:s5] =	ssyncadd.s32 $0xFFFF8000  }
0x1e: {  	[tilespmem:s9], [sflag:$0x2] =	stream.indirect.gather [hbm4b:s7+s8], $0x80, s15, s8, $0xb8;
	[tilespmem:$0x10400] =	vst v63  }
0x1f: {  	_ =	swait.ge [sflag:s10], $0x8000  }
0x20: {  	[sflag:s10] =	ssyncset.done $0x0  }
0x21: {  	s17 =	ssub.s32 $0x2, s17;
	s16 =	sadd.s32 $0x27800, s18;
	[sflag:s10] =	ssyncadd.s32 $0xFFFF8000  }
0x22: {  	[hbm4b:s16+s2] =	stream.linear.scatter [tilespmem:s6], [sflag:$0x3], $0x8000, $0x38;
	[tilespmem:$0x10400] =	vst v63  }
0x23: {  	s19 =	sshrl.u32 s17, $0x1;
	_ =	swait.ge [sflag:s5], $0x8000  }
0x24: {  	s19 =	ssub.s32 s17, s19;
	[sflag:s5] =	ssyncset.done $0x0  }
0x25: {  	s31 =	smax.u32 s19, $0x1;
	[sflag:s5] =	ssyncadd.s32 $0xFFFF8000  }
0x26: {  	p0 =	sne.s32 s31, $0x1;
	_ =	swait.ge [sflag:s13], $0x8000  }
.Ltmp0:
0x27: {  	[sflag:s13] =	ssyncset.done $0x0;
	(pc) =	sbr.rel @!p0 .LBB2_2-.Ltmp0, $4  }
0x28: {  	s17 =	sadd.s32 $0x28800, s18;
	[sflag:s13] =	ssyncadd.s32 $0xFFFF8000  }
0x29: {  	[hbm4b:s17+s2] =	stream.linear.scatter [tilespmem:s9], [sflag:$0x3], $0x8000, $0x38;
	[tilespmem:$0x10400] =	vst v63  }
0x2a: {  	_ =	swait.ge [sflag:s5], $0x8000  }
0x2b: {  	s18 =	sadd.s32 $0xFFFFFFFF, s31;
	[sflag:s5] =	ssyncset.done $0x0  }
.LBB2_1:
0x2c: {  	p0 =	sne.s32 s18, $0x1;
	s18 =	sadd.s32 $0xFFFFFFFF, s18;
	[sflag:s5] =	ssyncadd.s32 $0xFFFF8000  }
0x2d: {  	[tilespmem:s2], [sflag:$0x3] =	stream.strided.gather [hbm4b:s3+s4], $0x400, s6, s4, $0x38;
	[tilespmem:$0x10400] =	vst v63  }
0x2e: {  	_ =	swait.ge [sflag:s5], $0x400  }
0x2f: {  	[sflag:s5] =	ssyncset.done $0x0  }
0x30: {  	[sflag:s5] =	ssyncadd.s32 $0xFFFFFC00  }
0x31: {  	[tilespmem:s6], [sflag:$0x1] =	stream.indirect.gather [hbm4b:s7+s8], $0x80, s2, s8, $0xb8;
	[tilespmem:$0x10400] =	vst v63  }
0x32: {  	_ = 	snop  }
0x33: {  	[tilespmem:s9], [sflag:$0x2] =	stream.indirect.gather [hbm4b:s7+s8], $0x80, s8, s8, $0xb8;
	[tilespmem:$0x10400] =	vst v63  }
0x34: {  	_ =	swait.ge [sflag:s10], $0x8000  }
0x35: {  	[sflag:s10] =	ssyncset.done $0x0  }
0x36: {  	[sflag:s10] =	ssyncadd.s32 $0xFFFF8000  }
0x37: {  	[hbm4b:s11+s2] =	stream.linear.scatter [tilespmem:s6], [sflag:$0x3], $0x8000, $0x38;
	[tilespmem:$0x10400] =	vst v63  }
0x38: {  	_ =	swait.ge [sflag:s5], $0x8000  }
0x39: {  	[sflag:s5] =	ssyncset.done $0x0  }
0x3a: {  	[sflag:s5] =	ssyncadd.s32 $0xFFFF8000  }
0x3b: {  	[tilespmem:s6], [sflag:$0x1] =	stream.indirect.gather [hbm4b:s7+s8], $0x80, s12, s8, $0xb8;
	[tilespmem:$0x10400] =	vst v63  }
0x3c: {  	_ =	swait.ge [sflag:s13], $0x8000  }
0x3d: {  	[sflag:s13] =	ssyncset.done $0x0  }
0x3e: {  	[sflag:s13] =	ssyncadd.s32 $0xFFFF8000  }
0x3f: {  	[hbm4b:s14+s2] =	stream.linear.scatter [tilespmem:s9], [sflag:$0x3], $0x8000, $0x38;
	[tilespmem:$0x10400] =	vst v63  }
0x40: {  	_ =	swait.ge [sflag:s5], $0x8000  }
0x41: {  	[sflag:s5] =	ssyncset.done $0x0  }
0x42: {  	[sflag:s5] =	ssyncadd.s32 $0xFFFF8000  }
0x43: {  	[tilespmem:s9], [sflag:$0x2] =	stream.indirect.gather [hbm4b:s7+s8], $0x80, s15, s8, $0xb8;
	[tilespmem:$0x10400] =	vst v63  }
0x44: {  	_ =	swait.ge [sflag:s10], $0x8000  }
0x45: {  	[sflag:s10] =	ssyncset.done $0x0  }
0x46: {  	[sflag:s10] =	ssyncadd.s32 $0xFFFF8000  }
0x47: {  	[hbm4b:s16+s2] =	stream.linear.scatter [tilespmem:s6], [sflag:$0x3], $0x8000, $0x38;
	[tilespmem:$0x10400] =	vst v63  }
0x48: {  	_ =	swait.ge [sflag:s5], $0x8000  }
0x49: {  	[sflag:s5] =	ssyncset.done $0x0  }
0x4a: {  	[sflag:s5] =	ssyncadd.s32 $0xFFFF8000  }
0x4b: {  	_ =	swait.ge [sflag:s13], $0x8000  }
.Ltmp1:
0x4c: {  	[sflag:s13] =	ssyncset.done $0x0;
	(pc) =	sbr.rel @p0 .LBB2_1-.Ltmp1, $4  }
0x4d: {  	[sflag:s13] =	ssyncadd.s32 $0xFFFF8000  }
0x4e: {  	[hbm4b:s17+s2] =	stream.linear.scatter [tilespmem:s9], [sflag:$0x3], $0x8000, $0x38;
	[tilespmem:$0x10400] =	vst v63  }
0x4f: {  	_ =	swait.ge [sflag:s5], $0x8000  }
0x50: {  	[sflag:s5] =	ssyncset.done $0x0  }
.LBB2_2:
0x51: {  	[sflag:s5] =	ssyncadd.s32 $0xFFFF8000  }
0x52: {  	_ =	sfence.sel $0x180000  }
0x53: {  	[bflag:$0x0] =	sbarrier.arrive $0xFFFF  }
0x54: {  	p0 =	sne.s32 s0, $0x0;
	_ =	strace $0x90000047  }
0x55: {  	s0 =	sadd.s32 @!p0 $0x100000, s1;
	[bflag:$0x2] =	sbarrier.arrive $0xFFFF  }
0x56: {  	[sflag:s0] =	ssyncadd.tile.s32 @!p0 $0x1;
	_ =	shalt  }
.Lfunc_end2:
_tile_overlayer_lowered:
.L_overlay_start_2:
0x57: {  	(tag) =	ssettag $0x2  }
0x58: {  	s0 =	rddreg [dreg:$0x0];
	s2 =	stileid.u32  }
0x59: {  	s1 =	rddreg [dreg:$0x1];
	p0 =	sne.s32 s2, $0x0  }
0x5a: {  	s3 =	rddreg [dreg:$0x2];
	[bflag:$0x3] =	sbarrier.arrive $0xFFFF;
	s2 =	simm.s32 @!p0 $0x1C03  }
0x5b: {  	[timem:s3], [sflag:s2] =	dma.local @!p0 [hbm:s0], s1  }
0x5c: {  	s0 =	simm.s32 @!p0 $0x3  }
0x5d: {  	_ =	swait.ge @!p0 [sflag:s0], s1  }
0x5e: {  	s1 =	ssub.s32 @!p0 $0x0, s1;
	[sflag:s0] =	ssyncset.done @!p0 $0x0  }
0x5f: {  	[sflag:s0] =	ssyncadd.s32 @!p0 s1  }
0x60: {  	[bflag:$0x3] =	sbarrier.arrive $0xFFFF  }
0x61: {  	_ =	shalt  }

// kernel: kernel.14.cloned.1.call-start
scs
__scs_entry_jumppad:
0x0: {  	(pc) =	sbr.rel $0x88, $3  }
0x1: {  	(tag) =	ssettag $0x0;
	lr =	simm.s32 $0x1  }
0x2: {  	[smem:$0x3F94] =	sst lr;
	_ =	strace $0xD0000000  }
0x3: {  	_ = 	snop  }
0x4: {  	_ = 	snop  }
0x5: {  	_ = 	snop  }
0x6: {  	_ = 	snop  }
0x7: {  	_ = 	snop  }
__scs_overlays_trampoline_lowered:
0x8: {  	[smem:$0x3FA3] =	sst s0  }
0x9: {  	[smem:$0x3FA4] =	sst s1  }
0xa: {  	[smem:$0x3FA5] =	sst s2  }
0xb: {  	[smem:$0x3FA6] =	sst s3  }
0xc: {  	[smem:$0x3FA7] =	sst s4  }
0xd: {  	[smem:$0x3FA8] =	sst s5  }
0xe: {  	[smem:$0x3FA9] =	sst s6  }
0xf: {  	[smem:$0x3FAA] =	sst s7  }
0x10: {  	[smem:$0x3FAB] =	sst s8  }
0x11: {  	[smem:$0x3FAC] =	sst s9;
	s0 =	simm.s32 @!p0 $0x0  }
0x12: {  	s1 =	sld [smem:$0x3F92];
	s0 =	simm.s32 @p0 $0x1  }
0x13: {  	[smem:$0x3FAD] =	sst s0;
	s0 =	simm.s32 @!p1 $0x0  }
0x14: {  	s2 =	sld [smem:$0x3F91];
	s0 =	simm.s32 @p1 $0x1  }
0x15: {  	[smem:$0x3FAE] =	sst s0;
	s0 =	simm.s32 @!p2 $0x0  }
0x16: {  	s3 =	sld [smem:$0x3FDB];
	s0 =	simm.s32 @p2 $0x1  }
0x17: {  	s4 =	simm.s32 $0x1BF5;
	[smem:$0x3FB0] =	sst s0  }
0x18: {  	s0 =	sld [smem:$0x3F93];
	_ =	swait.ge [sflag:s4], $0x0  }
0x19: {  	s7 =	sld [smem:$0x3F94]  }
0x1a: {  	s8 =	sadd.s32 $0xFFFFE003, lr  }
0x1b: {  	s9 =	sadd.s32 $0xFFFFFEF7, lr;
	s5 =	simm.s32 $0xFFFFFFFF;
	p2 =	slt.u32 s8, $0xFFFFF086  }
0x1c: {  	p1 =	slt.u32 s9, $0xF7A;
	s5 =	simm.s32 @!p2 $0x0  }
0x1d: {  	s5 =	simm.s32 @p1 $0x1;
	p0 =	seq.s32 s7, s2  }
0x1e: {  	s7 =	smul.u32 @!p0 $0xF7A, s2;
	p2 =	seq.s32 @!p0 s5, $0x0  }
0x1f: {  	s9 =	smul.u32 $0xF7A, s1;
	s8 =	simm.s32 @!p0 $0x1BF5;
	p2 =	por !p2, p0  }
0x20: {  	[sflag:s8] =	ssyncset.s32 @!p0 $0xFFFFF086;
	s6 =	sadd.s32 @!p0 s3, s7;
	s7 =	simm.s32 @!p0 $0x108  }
0x21: {  	s3 =	sadd.s32 s3, s9;
	s6 =	sadd.s32 @!p0 $0x88, s6;
	s7 =	simm.s32 @p2 $0x1082  }
0x22: {  	[simem:s7], [sflag:s8] =	dma.local @!p0 [hbm:s6], $0xF7A  }
0x23: {  	s9 =	sor.u32 $0xD0000000, s2;
	s6 =	simm.s32 $0x108;
	_ =	swait.ge @!p0 [sflag:s8], $0x0  }
0x24: {  	s3 =	sadd.s32 $0x88, s3;
	s6 =	simm.s32 @!p1 $0x1082;
	[sflag:s4] =	ssyncset.s32 $0xFFFFF086  }
0x25: {  	[simem:s6], [sflag:s4] =	dma.local [hbm:s3], $0xF7A  }
0x26: {  	[smem:$0x3F94] =	sst s1;
	(tag) =	ssettag s2;
	_ =	strace s9  }
0x27: {  	s1 =	sld [smem:$0x3FA4]  }
0x28: {  	s2 =	sld [smem:$0x3FA5]  }
0x29: {  	s4 =	sld [smem:$0x3FA7]  }
0x2a: {  	p0 =	seq.s32 s5, $0x0;
	s5 =	sld [smem:$0x3FA8]  }
0x2b: {  	s6 =	sld [smem:$0x3FA9]  }
0x2c: {  	s7 =	sld [smem:$0x3FAA]  }
0x2d: {  	s3 =	simm.s32 $0x108;
	s8 =	sld [smem:$0x3FAB]  }
0x2e: {  	s3 =	simm.s32 @!p0 $0x1082;
	s9 =	sld [smem:$0x3FAC]  }
0x2f: {  	lr =	sadd.s32 s0, s3;
	s0 =	sld [smem:$0x3FA3]  }
0x30: {  	s3 =	sld [smem:$0x3FA6]  }
0x31: {  	[smem:$0x3FAF] =	sst s10  }
0x32: {  	s10 =	sld [smem:$0x3FAD];
	_ =	sdelay $0x3  }
0x33: {  	p0 =	seq.s32 s10, $0x1;
	s10 =	sld [smem:$0x3FAF];
	_ =	sdelay $0x3  }
0x34: {  	[smem:$0x3FAF] =	sst s10  }
0x35: {  	s10 =	sld [smem:$0x3FAE];
	_ =	sdelay $0x3  }
0x36: {  	p1 =	seq.s32 s10, $0x1;
	s10 =	sld [smem:$0x3FAF];
	_ =	sdelay $0x3  }
0x37: {  	[smem:$0x3FAF] =	sst s10  }
0x38: {  	s10 =	sld [smem:$0x3FB0]  }
0x39: {  	_ = 	snop;
	(pc) =	sbr.ind lr, $3  }
0x3a: {  	_ = 	snop  }
0x3b: {  	_ = 	snop  }
0x3c: {  	p2 =	seq.s32 s10, $0x1;
	s10 =	sld [smem:$0x3FAF]  }
0x3d: {  	_ =	shalt  }
0x3e: {  	_ =	shalt  }
0x3f: {  	_ =	shalt  }
0x40: {  	_ =	shalt  }
0x41: {  	_ =	shalt  }
0x42: {  	_ =	shalt  }
0x43: {  	_ =	shalt  }
0x44: {  	_ =	shalt  }
0x45: {  	_ =	shalt  }
0x46: {  	_ =	shalt  }
0x47: {  	_ =	shalt  }
0x48: {  	_ =	shalt  }
0x49: {  	_ =	shalt  }
0x4a: {  	_ =	shalt  }
0x4b: {  	_ =	shalt  }
0x4c: {  	_ =	shalt  }
0x4d: {  	_ =	shalt  }
0x4e: {  	_ =	shalt  }
0x4f: {  	_ =	shalt  }
0x50: {  	_ =	shalt  }
0x51: {  	_ =	shalt  }
0x52: {  	_ =	shalt  }
0x53: {  	_ =	shalt  }
0x54: {  	_ =	shalt  }
0x55: {  	_ =	shalt  }
0x56: {  	_ =	shalt  }
0x57: {  	_ =	shalt  }
0x58: {  	_ =	shalt  }
0x59: {  	_ =	shalt  }
0x5a: {  	_ =	shalt  }
0x5b: {  	_ =	shalt  }
0x5c: {  	_ =	shalt  }
0x5d: {  	_ =	shalt  }
0x5e: {  	_ =	shalt  }
0x5f: {  	_ =	shalt  }
0x60: {  	_ =	shalt  }
0x61: {  	_ =	shalt  }
0x62: {  	_ =	shalt  }
0x63: {  	_ =	shalt  }
0x64: {  	_ =	shalt  }
0x65: {  	_ =	shalt  }
0x66: {  	_ =	shalt  }
0x67: {  	_ =	shalt  }
0x68: {  	_ =	shalt  }
0x69: {  	_ =	shalt  }
0x6a: {  	_ =	shalt  }
0x6b: {  	_ =	shalt  }
0x6c: {  	_ =	shalt  }
0x6d: {  	_ =	shalt  }
0x6e: {  	_ =	shalt  }
0x6f: {  	_ =	shalt  }
0x70: {  	_ =	shalt  }
0x71: {  	_ =	shalt  }
0x72: {  	_ =	shalt  }
0x73: {  	_ =	shalt  }
0x74: {  	_ =	shalt  }
0x75: {  	_ =	shalt  }
0x76: {  	_ =	shalt  }
0x77: {  	_ =	shalt  }
0x78: {  	_ =	shalt  }
0x79: {  	_ =	shalt  }
0x7a: {  	_ =	shalt  }
0x7b: {  	_ =	shalt  }
0x7c: {  	_ =	shalt  }
0x7d: {  	_ =	shalt  }
0x7e: {  	_ =	shalt  }
0x7f: {  	_ =	shalt  }
0x80: {  	_ =	shalt  }
0x81: {  	_ =	shalt  }
0x82: {  	_ =	shalt  }
0x83: {  	_ =	shalt  }
0x84: {  	_ =	shalt  }
0x85: {  	_ =	shalt  }
0x86: {  	_ =	shalt  }
0x87: {  	_ =	shalt  }
.Lfunc_end0:
.L_simem_size_0:
called_computation.1_lowered:
.L_overlay_start_0:
0x88: {  	s2 =	sld [smem:$0x3FD9]  }
0x89: {  	s3 =	sld [smem:$0x3FFE];
	_ =	sdelay $0x1  }
0x8a: {  	s1 =	srdreg.scid  }
0x8b: {  	s0 =	sand.u32 $0x1, s1  }
0x8c: {  	s17 =	sshll.u32 s0, $0xA;
	s2 =	sadd.s32 s3, s2  }
0x8d: {  	s2 =	sadd.s32 s2, s17  }
0x8e: {  	[smem:$0x3FBB] =	sst s2  }
0x8f: {  	_ = 	snop  }
0x90: {  	(tm) =	ssettm $0x1  }
0x91: {  	s18 =	sld [smem:$0x3FFB];
	_ =	sdelay $0x3  }
0x92: {  	_ =	strace s18  }
0x93: {  	s2 =	sld [smem:$0x3FFC];
	_ =	sdelay $0x3  }
0x94: {  	_ =	strace s2  }
0x95: {  	s2 =	sld [smem:$0x3FFD];
	_ =	sdelay $0x3  }
0x96: {  	_ =	strace s2  }
0x97: {  	_ =	strace $0x8FFFFFFF  }
0x98: {  	s19 =	sld [smem:$0x3FDB];
	_ =	sdelay $0x1  }
0x99: {  	s20 =	simm.s32 $_scs_section_size  }
0x9a: {  	s4 =	simm.s32 $_size__tile_overlayer_lowered;
	s5 =	simm.s32 $_tile_overlayer_lowered  }
0x9b: {  	s6 =	simm.s32 $0x1BFF;
	s21 =	sshll.u32 s5, $0x1;
	s3 =	sadd.s32 s20, s19  }
0x9c: {  	s22 =	simm.s32 $0x0;
	s4 =	sshll.u32 s4, $0x1;
	s5 =	sadd.s32 s21, s3  }
0x9d: {  	[timem:s22], [sflag:s6] =	dma.local [hbm:s5], s4  }
0x9e: {  	_ =	swait.ge [sflag:s6], s4  }
0x9f: {  	s4 =	ssub.s32 $0x0, s4;
	[sflag:s6] =	ssyncset.done $0x0  }
0xa0: {  	[sflag:s6] =	ssyncadd.s32 s4;
	_ =	sdelay $0x1  }
0xa1: {  	s23 =	simm.s32 $0x1B8B  }
0xa2: {  	_ =	swait.ge [sflag:s23], $0x1  }
0xa3: {  	[sflag:s23] =	ssyncset.done $0x0  }
0xa4: {  	[sflag:s23] =	ssyncadd.s32 $0xFFFFFFFF  }
0xa5: {  	s4 =	sld [smem:$0x0]  }
0xa6: {  	s5 =	sand.u32 $0xFFFFFFFE, s1  }
0xa7: {  	p0 =	sne.s32 s1, s5  }
0xa8: {  	s5 =	sshll.u32 @p0 s5, $0xE  }
0xa9: {  	s5 =	sadd.s32 @p0 $0x11B8D, s5;
	s6 =	sshll.u32 @p0 s4, $0x11  }
0xaa: {  	s5 =	sor.u32 @p0 s6, s5  }
0xab: {  	[sflag:s5] =	ssyncadd.remote.s32 @p0 $0x1;
	_ =	sdelay $0x1  }
0xac: {  	s5 =	simm.s32 @p0 $0x1B8D  }
0xad: {  	_ =	swait.eq @p0 [sflag:s5], $0x1  }
0xae: {  	[sflag:s5] =	ssyncadd.s32 @p0 $0xFFFFFFFF  }
0xaf: {  	s6 =	sshll.u32 @!p0 s1, $0xE  }
0xb0: {  	s6 =	sor.u32 @!p0 $0x4000, s6;
	s5 =	simm.s32 @!p0 $0x1B8D  }
0xb1: {  	s4 =	sshll.u32 @!p0 s4, $0x11;
	s6 =	sadd.s32 @!p0 $0x11B8D, s6;
	_ =	swait.eq @!p0 [sflag:s5], $0x1  }
0xb2: {  	s4 =	sor.u32 @!p0 s4, s6;
	[sflag:s5] =	ssyncadd.s32 @!p0 $0xFFFFFFFF  }
0xb3: {  	s25 =	simm.s32 $0x1B8E;
	s24 =	sld [smem:$0x3FFE];
	[sflag:s4] =	ssyncadd.remote.s32 @!p0 $0x1  }
0xb4: {  	s26 =	simm.s32 $execute0_lowered;
	[smem:$0x3FD2] =	sst s25  }
0xb5: {  	s5 =	sshll.u32 s26, $0x1;
	_ =	strace $0x80000049;
	[dreg:$0x1] =	wrdreg $0xFFFFFFFF  }
0xb6: {  	s28 =	simm.s32 $_size_execute0_lowered;
	s3 =	sadd.s32 s3, s5;
	[dreg:$0x0] =	wrdreg $0x0  }
0xb7: {  	s5 =	sshll.u32 s28, $0x1;
	[dreg:$0x2] =	wrdreg s3  }
0xb8: {  	[dreg:$0x3] =	wrdreg s5  }
0xb9: {  	[dreg:$0x4] =	wrdreg $0xC0  }
0xba: {  	_ =	task [dreg:s22], $0x5FFFF  }
0xbb: {  	[dreg:$0x1] =	wrdreg $0xFFFFFFFF  }
0xbc: {  	[dreg:$0x0] =	wrdreg $0x60  }
0xbd: {  	[dreg:$0x2] =	wrdreg s24  }
0xbe: {  	[dreg:$0x3] =	wrdreg $0xA  }
0xbf: {  	_ =	task.clear_ibuf [dreg:s22], $0x4FFFF;
	_ =	strace $0x90000049  }
0xc0: {  	s29 =	simm.s32 $0xA;
	_ =	strace $0x8000004B  }
0xc1: {  	_ =	swait.ge [sflag:s29], $0x1  }
0xc2: {  	[sflag:s29] =	ssyncadd.s32 $0xFFFFFFFF  }
0xc3: {  	_ =	strace $0x9000004B  }
0xc4: {  	_ =	sfence  }
0xc5: {  	s30 =	sld [smem:$0x0];
	_ =	sdelay $0x2  }
0xc6: {  	s31 =	sshll.u32 s1, $0xD;
	s1 =	sshrl.u32 s1, $0x2  }
0xc7: {  	s4 =	sand.u32 $0x4000, s31;
	s1 =	sadd.s32 s1, s30  }
0xc8: {  	s0 =	sor.u32 s4, s0;
	s1 =	sshll.u32 s1, $0x11  }
0xc9: {  	s0 =	sor.u32 s1, s0  }
0xca: {  	s0 =	sadd.s32 $0x8F2B, s0  }
0xcb: {  	[sflag:s0] =	ssyncadd.remote.s32 $0x1  }
0xcc: {  	_ =	sfence.sel $0xFFFF  }
0xcd: {  	[dreg:$0x0] =	wrdreg $0xFFFFFFFF;
	(pc) =	sbr.abs _section_cstart, $3  }
0xce: {  	[dreg:$0x1] =	wrdreg $0xFFFFFFFF  }
0xcf: {  	_ =	task.clear_ibuf [dreg:s22], $0x2FFFF;
	_ =	strace $0x9FFFFFFF  }
0xd0: {  	(tm) =	ssettm $0x7FFFFFFF  }
0xd1: {  	_ =	shalt  }
tec
execute0_lowered:
.L_overlay_start_1:
0x0: {  	(tag) =	ssettag $0x1  }
0x1: {  	s0 =	stileid.u32;
	s1 =	srdreg.scid  }
0x2: {  	s11 =	rddreg [dreg:$0x0];
	s17 =	sand.u32 $0x1, s1;
	s30 =	sshll.u32 s0, $0x1  }
0x3: {  	s6 =	simm.s32 $0x400;
	s2 =	sshll.u32 s0, $0x8;
	s12 =	sor.u32 s17, s30  }
0x4: {  	s1 =	rddreg [dreg:$0x1];
	s3 =	sand.u32 $0xC00, s2;
	s4 =	sshll.u32 s12, $0x4  }
0x5: {  	s2 =	simm.s32 $0x0;
	s3 =	sadd.s32 s3, s11;
	s4 =	sand.u32 $0x70, s4  }
0x6: {  	s5 =	simm.s32 $0x3;
	[smem:$0x7FF] =	sst s2;
	s3 =	sadd.s32 s4, s3  }
0x7: {  	_ =	strace $0x8000004A;
	s4 =	simm.s32 $0x80;
	s3 =	sadd.s32 $0xA5800, s3  }
0x8: {  	[tilespmem:s2], [sflag:$0x3] =	stream.strided.gather [hbm4b:s3+s4], $0x400, s6, s4, $0x38;
	[tilespmem:$0x10400] =	vst v63  }
0x9: {  	_ =	swait.ge [sflag:s5], $0x400  }
0xa: {  	[sflag:s5] =	ssyncset.done $0x0  }
0xb: {  	s8 =	simm.s32 $0x100;
	s7 =	sadd.s32 $0x4800, s11;
	[sflag:s5] =	ssyncadd.s32 $0xFFFFFC00  }
0xc: {  	[tilespmem:s6], [sflag:$0x1] =	stream.indirect.gather [hbm4b:s7+s8], $0x80, s2, s8, $0xb8;
	[tilespmem:$0x10400] =	vst v63  }
0xd: {  	s9 =	simm.s32 $0x8400;
	s10 =	simm.s32 $0x1  }
0xe: {  	[tilespmem:s9], [sflag:$0x2] =	stream.indirect.gather [hbm4b:s7+s8], $0x80, s8, s8, $0xb8;
	[tilespmem:$0x10400] =	vst v63  }
0xf: {  	s12 =	sshll.u32 s12, $0xE;
	_ =	swait.ge [sflag:s10], $0x8000  }
0x10: {  	s18 =	sadd.s32 s12, s11;
	[sflag:s10] =	ssyncset.done $0x0  }
0x11: {  	s11 =	sadd.s32 $0xA6800, s18;
	[sflag:s10] =	ssyncadd.s32 $0xFFFF8000  }
0x12: {  	[hbm4b:s11+s2] =	stream.linear.scatter [tilespmem:s6], [sflag:$0x3], $0x8000, $0x38;
	[tilespmem:$0x10400] =	vst v63  }
0x13: {  	_ =	swait.ge [sflag:s5], $0x8000  }
0x14: {  	[sflag:s5] =	ssyncset.done $0x0  }
0x15: {  	s13 =	simm.s32 $0x2;
	s12 =	simm.s32 $0x200;
	[sflag:s5] =	ssyncadd.s32 $0xFFFF8000  }
0x16: {  	[tilespmem:s6], [sflag:$0x1] =	stream.indirect.gather [hbm4b:s7+s8], $0x80, s12, s8, $0xb8;
	[tilespmem:$0x10400] =	vst v63  }
0x17: {  	_ =	swait.ge [sflag:s13], $0x8000  }
0x18: {  	[sflag:s13] =	ssyncset.done $0x0  }
0x19: {  	s14 =	sadd.s32 $0xA7800, s18;
	[sflag:s13] =	ssyncadd.s32 $0xFFFF8000  }
0x1a: {  	[hbm4b:s14+s2] =	stream.linear.scatter [tilespmem:s9], [sflag:$0x3], $0x8000, $0x38;
	[tilespmem:$0x10400] =	vst v63  }
0x1b: {  	_ =	swait.ge [sflag:s5], $0x8000  }
0x1c: {  	[sflag:s5] =	ssyncset.done $0x0  }
0x1d: {  	s15 =	simm.s32 $0x300;
	[sflag:s5] =	ssyncadd.s32 $0xFFFF8000  }
0x1e: {  	[tilespmem:s9], [sflag:$0x2] =	stream.indirect.gather [hbm4b:s7+s8], $0x80, s15, s8, $0xb8;
	[tilespmem:$0x10400] =	vst v63  }
0x1f: {  	_ =	swait.ge [sflag:s10], $0x8000  }
0x20: {  	[sflag:s10] =	ssyncset.done $0x0  }
0x21: {  	s17 =	ssub.s32 $0x2, s17;
	s16 =	sadd.s32 $0xA8800, s18;
	[sflag:s10] =	ssyncadd.s32 $0xFFFF8000  }
0x22: {  	[hbm4b:s16+s2] =	stream.linear.scatter [tilespmem:s6], [sflag:$0x3], $0x8000, $0x38;
	[tilespmem:$0x10400] =	vst v63  }
0x23: {  	s19 =	sshrl.u32 s17, $0x1;
	_ =	swait.ge [sflag:s5], $0x8000  }
0x24: {  	s19 =	ssub.s32 s17, s19;
	[sflag:s5] =	ssyncset.done $0x0  }
0x25: {  	s31 =	smax.u32 s19, $0x1;
	[sflag:s5] =	ssyncadd.s32 $0xFFFF8000  }
0x26: {  	p0 =	sne.s32 s31, $0x1;
	_ =	swait.ge [sflag:s13], $0x8000  }
.Ltmp0:
0x27: {  	[sflag:s13] =	ssyncset.done $0x0;
	(pc) =	sbr.rel @!p0 .LBB2_2-.Ltmp0, $4  }
0x28: {  	s17 =	sadd.s32 $0xA9800, s18;
	[sflag:s13] =	ssyncadd.s32 $0xFFFF8000  }
0x29: {  	[hbm4b:s17+s2] =	stream.linear.scatter [tilespmem:s9], [sflag:$0x3], $0x8000, $0x38;
	[tilespmem:$0x10400] =	vst v63  }
0x2a: {  	_ =	swait.ge [sflag:s5], $0x8000  }
0x2b: {  	s18 =	sadd.s32 $0xFFFFFFFF, s31;
	[sflag:s5] =	ssyncset.done $0x0  }
.LBB2_1:
0x2c: {  	p0 =	sne.s32 s18, $0x1;
	s18 =	sadd.s32 $0xFFFFFFFF, s18;
	[sflag:s5] =	ssyncadd.s32 $0xFFFF8000  }
0x2d: {  	[tilespmem:s2], [sflag:$0x3] =	stream.strided.gather [hbm4b:s3+s4], $0x400, s6, s4, $0x38;
	[tilespmem:$0x10400] =	vst v63  }
0x2e: {  	_ =	swait.ge [sflag:s5], $0x400  }
0x2f: {  	[sflag:s5] =	ssyncset.done $0x0  }
0x30: {  	[sflag:s5] =	ssyncadd.s32 $0xFFFFFC00  }
0x31: {  	[tilespmem:s6], [sflag:$0x1] =	stream.indirect.gather [hbm4b:s7+s8], $0x80, s2, s8, $0xb8;
	[tilespmem:$0x10400] =	vst v63  }
0x32: {  	_ = 	snop  }
0x33: {  	[tilespmem:s9], [sflag:$0x2] =	stream.indirect.gather [hbm4b:s7+s8], $0x80, s8, s8, $0xb8;
	[tilespmem:$0x10400] =	vst v63  }
0x34: {  	_ =	swait.ge [sflag:s10], $0x8000  }
0x35: {  	[sflag:s10] =	ssyncset.done $0x0  }
0x36: {  	[sflag:s10] =	ssyncadd.s32 $0xFFFF8000  }
0x37: {  	[hbm4b:s11+s2] =	stream.linear.scatter [tilespmem:s6], [sflag:$0x3], $0x8000, $0x38;
	[tilespmem:$0x10400] =	vst v63  }
0x38: {  	_ =	swait.ge [sflag:s5], $0x8000  }
0x39: {  	[sflag:s5] =	ssyncset.done $0x0  }
0x3a: {  	[sflag:s5] =	ssyncadd.s32 $0xFFFF8000  }
0x3b: {  	[tilespmem:s6], [sflag:$0x1] =	stream.indirect.gather [hbm4b:s7+s8], $0x80, s12, s8, $0xb8;
	[tilespmem:$0x10400] =	vst v63  }
0x3c: {  	_ =	swait.ge [sflag:s13], $0x8000  }
0x3d: {  	[sflag:s13] =	ssyncset.done $0x0  }
0x3e: {  	[sflag:s13] =	ssyncadd.s32 $0xFFFF8000  }
0x3f: {  	[hbm4b:s14+s2] =	stream.linear.scatter [tilespmem:s9], [sflag:$0x3], $0x8000, $0x38;
	[tilespmem:$0x10400] =	vst v63  }
0x40: {  	_ =	swait.ge [sflag:s5], $0x8000  }
0x41: {  	[sflag:s5] =	ssyncset.done $0x0  }
0x42: {  	[sflag:s5] =	ssyncadd.s32 $0xFFFF8000  }
0x43: {  	[tilespmem:s9], [sflag:$0x2] =	stream.indirect.gather [hbm4b:s7+s8], $0x80, s15, s8, $0xb8;
	[tilespmem:$0x10400] =	vst v63  }
0x44: {  	_ =	swait.ge [sflag:s10], $0x8000  }
0x45: {  	[sflag:s10] =	ssyncset.done $0x0  }
0x46: {  	[sflag:s10] =	ssyncadd.s32 $0xFFFF8000  }
0x47: {  	[hbm4b:s16+s2] =	stream.linear.scatter [tilespmem:s6], [sflag:$0x3], $0x8000, $0x38;
	[tilespmem:$0x10400] =	vst v63  }
0x48: {  	_ =	swait.ge [sflag:s5], $0x8000  }
0x49: {  	[sflag:s5] =	ssyncset.done $0x0  }
0x4a: {  	[sflag:s5] =	ssyncadd.s32 $0xFFFF8000  }
0x4b: {  	_ =	swait.ge [sflag:s13], $0x8000  }
.Ltmp1:
0x4c: {  	[sflag:s13] =	ssyncset.done $0x0;
	(pc) =	sbr.rel @p0 .LBB2_1-.Ltmp1, $4  }
0x4d: {  	[sflag:s13] =	ssyncadd.s32 $0xFFFF8000  }
0x4e: {  	[hbm4b:s17+s2] =	stream.linear.scatter [tilespmem:s9], [sflag:$0x3], $0x8000, $0x38;
	[tilespmem:$0x10400] =	vst v63  }
0x4f: {  	_ =	swait.ge [sflag:s5], $0x8000  }
0x50: {  	[sflag:s5] =	ssyncset.done $0x0  }
.LBB2_2:
0x51: {  	[sflag:s5] =	ssyncadd.s32 $0xFFFF8000  }
0x52: {  	_ =	sfence.sel $0x180000  }
0x53: {  	[bflag:$0x0] =	sbarrier.arrive $0xFFFF  }
0x54: {  	p0 =	sne.s32 s0, $0x0;
	_ =	strace $0x9000004A  }
0x55: {  	s0 =	sadd.s32 @!p0 $0x100000, s1;
	[bflag:$0x2] =	sbarrier.arrive $0xFFFF  }
0x56: {  	[sflag:s0] =	ssyncadd.tile.s32 @!p0 $0x1;
	_ =	shalt  }
.Lfunc_end2:
_tile_overlayer_lowered:
.L_overlay_start_2:
0x57: {  	(tag) =	ssettag $0x2  }
0x58: {  	s0 =	rddreg [dreg:$0x0];
	s2 =	stileid.u32  }
0x59: {  	s1 =	rddreg [dreg:$0x1];
	p0 =	sne.s32 s2, $0x0  }
0x5a: {  	s3 =	rddreg [dreg:$0x2];
	[bflag:$0x3] =	sbarrier.arrive $0xFFFF;
	s2 =	simm.s32 @!p0 $0x1C03  }
0x5b: {  	[timem:s3], [sflag:s2] =	dma.local @!p0 [hbm:s0], s1  }
0x5c: {  	s0 =	simm.s32 @!p0 $0x3  }
0x5d: {  	_ =	swait.ge @!p0 [sflag:s0], s1  }
0x5e: {  	s1 =	ssub.s32 @!p0 $0x0, s1;
	[sflag:s0] =	ssyncset.done @!p0 $0x0  }
0x5f: {  	[sflag:s0] =	ssyncadd.s32 @!p0 s1  }
0x60: {  	[bflag:$0x3] =	sbarrier.arrive $0xFFFF  }
0x61: {  	_ =	shalt  }

</sc_bundles>
